<compile_context>
chip_gen: v7x
topology: tpu7x:2x2x1
jax: 0.10.2.dev20260603
libtpu: 0.0.44.dev20260713+nightly
codegen_flags: <defaults>
</compile_context>

<pallas_src>
from itertools import permutations

import numpy as np
import jax
import jax.numpy as jnp
from jax import lax
from jax.experimental import pallas as pl
from jax.experimental.pallas import tpu as pltpu
from jax.experimental.pallas import tpu_sc as plsc

_PHI = (1.0 + 5.0**0.5) / 2.0
_C0 = _PHI / 2.0
_C1 = 0.5
_C2 = 1.0 / (2.0 * _PHI)


def _bf16_round(f):
    bits = np.float32(f).view(np.uint32)
    bits = np.uint32(bits + 0x7FFF + ((bits >> 16) & 1)) & np.uint32(0xFFFF0000)
    return float(bits.view(np.float32))


_C0B = _bf16_round(_C0)
_C2B = _bf16_round(_C2)


def _even_perms():
    def parity(p):
        par = 0
        for i in range(4):
            for j in range(i + 1, 4):
                if p[i] > p[j]:
                    par ^= 1
        return par
    return [p for p in permutations(range(4)) if parity(p) == 0]


def _weight_rows():
    rows = []
    for d in range(4):
        w = [0.0, 0.0, 0.0, 0.0]
        w[d] = 1.0
        rows.append(w)
    rows.append([0.5, 0.5, 0.5, 0.5])
    base = [_C0, _C1, _C2, 0.0]
    for p in _even_perms():
        rows.append([base[p[i]] for i in range(4)])
    return np.array(rows, dtype=np.float32)


_W_ROWS = _weight_rows()
_W_FLAT = np.zeros((80,), dtype=np.float32)
_W_FLAT[:68] = _W_ROWS.reshape(-1)

_N = 256 * 1024
_NW = 32
_PTS_PER_W = _N // _NW
_F32_PER_W = _PTS_PER_W * 4
_GROUPS = _PTS_PER_W // 16


def _sc_body(x_hbm, out_hbm, xv, wv, outv, lut, sem_a, sem_b, sem_o):
    wid = lax.axis_index("s") * 2 + lax.axis_index("c")
    base = wid * _F32_PER_W
    half = _F32_PER_W // 2
    cp_a = pltpu.async_copy(x_hbm.at[pl.ds(base, half)],
                            xv.at[pl.ds(0, half)], sem_a)
    cp_b = pltpu.async_copy(x_hbm.at[pl.ds(base + half, half)],
                            xv.at[pl.ds(half, half)], sem_b)
    lane = jnp.arange(16, dtype=jnp.int32)
    for c in range(5):
        chunk = _W_FLAT[c * 16:(c + 1) * 16]
        acc = jnp.zeros((16,), jnp.float32)
        for v in sorted(set(float(t) for t in chunk) - {0.0}):
            mask = 0
            for i in range(16):
                if float(chunk[i]) == v:
                    mask |= 1 << i
            bit = (mask >> lane) & 1
            acc = acc + v * bit.astype(jnp.float32)
        wv[pl.ds(c * 16, 16)] = acc
    lane_sgn = [(1 - 2 * ((lane >> d) & 1)).astype(jnp.float32) for d in range(4)]
    base96 = [_C0, _C1, _C2, 0.0]
    ranks_list = []
    for d in range(4):
        r = [0, 0, 0, 0]
        r[d] = 4
        ranks_list.append(r)
    ranks_list.append([2, 2, 2, 2])
    for p in _even_perms():
        ranks_list.append([{_C0: 3, _C1: 2, _C2: 1, 0.0: 0}[base96[p[i]]]
                           for i in range(4)])
    for ci, ranks in enumerate(ranks_list):
        key = jnp.zeros((16,), jnp.float32)
        for d in range(4):
            if ranks[d]:
                key = key + lane_sgn[d] * float(ranks[d] * 9 ** (3 - d))
        kidx = key.astype(jnp.int32) + 3280
        plsc.store_scatter(lut, [kidx], jnp.full((16,), ci * 4, jnp.int32))

    def step(g):
        off = (g >> 3) * 512 + (g & 7) * 16
        xs = [xv[pl.ds(off + d * 128, 16)] for d in range(4)]
        xb = []
        for xd in xs:
            g = xd * 65537.0
            xb.append(g + (xd - g))
        a = [jnp.abs(v) for v in xb]
        neg = [v < 0.0 for v in xb]
        one = jnp.full((16,), 1.0, jnp.float32)
        sgn = [jnp.where(n, -one, one) for n in neg]
        q = [sgn[0] * 729.0, sgn[1] * 81.0, sgn[2] * 9.0, sgn[3]]
        P = {m: [q[d] * float(m) for d in range(4)] for m in (2, 3, 4)}
        P[1] = q
        S = [[c * ad for ad in a] for c in (_C0B, 0.5, _C2B)]

        scores = []
        keys = []
        for d in range(4):
            scores.append(a[d])
            keys.append(P[4][d])
        sh = ((S[1][0] + S[1][1]) + S[1][2]) + S[1][3]
        scores.append(sh)
        keys.append(((P[2][0] + P[2][1]) + P[2][2]) + P[2][3])
        pair_cache = {}
        def pair(c_i, i, c_j, j, M, tag):
            k = (tag, c_i, i, c_j, j)
            if k not in pair_cache:
                pair_cache[k] = (M[c_i][i] + M[c_j][j])
            return pair_cache[k]
        for p in _even_perms():
            nz = [i for i in range(4) if p[i] < 3]
            i0_, i1_, i2_ = nz
            s = pair(p[i0_], i0_, p[i1_], i1_, S, "s") + S[p[i2_]][i2_]
            key = (pair(3 - p[i0_], i0_, 3 - p[i1_], i1_, P, "k")
                   + P[3 - p[i2_]][i2_])
            scores.append(s)
            keys.append(key)

        t = scores
        while len(t) > 1:
            t = [jnp.maximum(t[i], t[i + 1]) for i in range(0, len(t) - 1, 2)] \
                + ([t[-1]] if len(t) & 1 else [])
        best = t[0]
        big = jnp.full((16,), 1e9, jnp.float32)
        t = [jnp.where(s == best, k, big) for s, k in zip(scores, keys)]
        while len(t) > 1:
            t = [jnp.minimum(t[i], t[i + 1]) for i in range(0, len(t) - 1, 2)] \
                + ([t[-1]] if len(t) & 1 else [])
        widx = plsc.load_gather(lut, [t[0].astype(jnp.int32) + 3280])
        for d in range(4):
            w = plsc.load_gather(wv, [widx + d])
            outv[pl.ds(off + d * 128, 16)] = w * sgn[d]

    cp_a.wait()
    plsc.parallel_loop(0, _GROUPS // 2, unroll=1)(step)
    cp_o = pltpu.async_copy(outv.at[pl.ds(0, half)],
                            out_hbm.at[pl.ds(base, half)], sem_o)
    cp_b.wait()
    plsc.parallel_loop(_GROUPS // 2, _GROUPS, unroll=1)(step)
    cp_o.wait()
    pltpu.sync_copy(outv.at[pl.ds(half, half)],
                    out_hbm.at[pl.ds(base + half, half)])


def _quantize_flat(xf):
    mesh = plsc.VectorSubcoreMesh(core_axis_name="c", subcore_axis_name="s")
    return pl.kernel(
        _sc_body,
        out_type=jax.ShapeDtypeStruct((_N * 4,), jnp.float32),
        mesh=mesh,
        scratch_types=[
            pltpu.VMEM((_F32_PER_W,), jnp.float32),
            pltpu.VMEM((80,), jnp.float32),
            pltpu.VMEM((_F32_PER_W,), jnp.float32),
            pltpu.VMEM((6568,), jnp.int32),
            pltpu.SemaphoreType.DMA,
            pltpu.SemaphoreType.DMA,
            pltpu.SemaphoreType.DMA,
        ],
        compiler_params=pltpu.CompilerParams(
            use_tc_tiling_on_sc=False, needs_layout_passes=False
        ),
    )(xf)


def kernel(x, vertices):
    del vertices
    xl = x.reshape(256, 8, 128, 4).transpose(0, 1, 3, 2).reshape(-1)
    out = _quantize_flat(xl)
    return (out.reshape(256, 8, 4, 128)
               .transpose(0, 1, 3, 2)
               .reshape(x.shape))

# --- scband reference (transcript-rebuilt; emitter-appended) ---
"""Pipeline reference for scband-polychoron600-quantizer-88304527606120 (READ-ONLY COPY).

The authoritative reference and input builder live on the scoring server;
editing this copy changes nothing except your own understanding.
"""

import jax, jax.numpy as jnp
import numpy as np
from itertools import permutations, product


def _permutation_parity(p):
    parity = 0
    p = list(p)
    for i in range(len(p)):
        for j in range(i + 1, len(p)):
            if p[i] > p[j]:
                parity = 1 - parity
    return parity


def _generate_600_cell_vertices():
    phi = (1 + 5 ** 0.5) / 2
    vertices = []
    # 8 axis vertices
    for i in range(4):
        for s in [-1, 1]:
            v = [0.0, 0.0, 0.0, 0.0]
            v[i] = float(s)
            vertices.append(v)
    # 16 half-integer vertices
    for s in product([-0.5, 0.5], repeat=4):
        vertices.append(list(s))
    # 96 even-permutation vertices
    base_96 = [phi / 2, 0.5, 1 / (2 * phi), 0.0]
    all_p = list(permutations([0, 1, 2, 3]))
    even_p = [p for p in all_p if _permutation_parity(p) == 0]
    vertices_96 = []
    for p_idx in even_p:
        for s in product([-1, 1], repeat=4):
            v = [base_96[p_idx[i]] * s[i] for i in range(4)]
            vertices_96.append(v)
    unique_v = set()
    for v in vertices:
        unique_v.add(tuple(np.round(v, 8)))
    for v in vertices_96:
        unique_v.add(tuple(np.round(v, 8)))
    arr = np.array(sorted(unique_v), dtype=np.float32)
    return arr  # (120, 4)


def setup_inputs(seed: int = 0) -> dict:
    key = jax.random.key(seed)
    x = jax.random.normal(key, (256, 1024, 4), dtype=jnp.float32)
    vertices = jnp.asarray(_generate_600_cell_vertices())
    return {"x": x, "vertices": vertices}


def reference(x, vertices):
    orig_shape = x.shape
    x_flat = x.reshape(-1, 4)
    # Euclidean cdist via expansion (equivalent to torch.cdist)
    x2 = jnp.sum(x_flat * x_flat, axis=-1, keepdims=True)          # (N, 1)
    v2 = jnp.sum(vertices * vertices, axis=-1)                     # (K,)
    d2 = x2 + v2[None, :] - 2.0 * (x_flat @ vertices.T)            # (N, K)
    dist = jnp.sqrt(jnp.clip(d2, 0.0, None))
    indices = jnp.argmin(dist, axis=1)
    quantized = jnp.take(vertices, indices, axis=0)                # gather
    return quantized.reshape(orig_shape)

if __name__ == "__main__":
    import jax
    _d = setup_inputs()
    print(jax.jit(kernel)(*tuple(_d.values())))

</pallas_src>

<mosaic_0001>
#map = affine_map<(d0, d1) -> (0)>
module attributes {stable_mosaic.version = 14 : i64} {
  func.func @_sc_body(%arg0: i32, %arg1: i32, %arg2: memref<1048576xf32, #tpu.memory_space<hbm>>, %arg3: memref<1048576xf32, #tpu.memory_space<hbm>>, %arg4: memref<32768xf32, #tpu.memory_space<vmem>>, %arg5: memref<80xf32, #tpu.memory_space<vmem>>, %arg6: memref<32768xf32, #tpu.memory_space<vmem>>, %arg7: memref<6568xi32, #tpu.memory_space<vmem>>, %arg8: memref<!tpu.dma_semaphore, #tpu.memory_space<semaphore_mem>>, %arg9: memref<!tpu.dma_semaphore, #tpu.memory_space<semaphore_mem>>, %arg10: memref<!tpu.dma_semaphore, #tpu.memory_space<semaphore_mem>>) attributes {dimension_semantics = [#tpu.dimension_semantics<core_parallel>, #tpu.dimension_semantics<subcore_parallel>], iteration_bounds = array<i64: 2, 16>, scalar_prefetch = 0 : i64, scratch_operands = 7 : i64, tpu.core_type = #tpu.core_type<sc_vector_subcore>, window_params = [{transform_indices = #map}, {transform_indices = #map}]} {
    %mul3A = arith.constant 2 : i32
    %mul3A_0 = arith.muli %arg1, %mul3A : i32
    %add3A = arith.addi %mul3A_0, %arg0 : i32
    %mul3A_1 = arith.constant 32768 : i32
    %mul3A_2 = arith.muli %add3A, %mul3A_1 : i32
    %dma_start3A = arith.constant 0 : i32
    %dma_start3A_3 = tpu.memref_slice %arg4[%dma_start3A] : memref<32768xf32, #tpu.memory_space<vmem>> -> memref<16384xf32, #tpu.memory_space<vmem>>
    %dma_start3A_4 = tpu.memref_slice %arg2[%mul3A_2] : memref<1048576xf32, #tpu.memory_space<hbm>> -> memref<16384xf32, #tpu.memory_space<hbm>>
    %dma_start3A_5 = arith.constant 0 : i32
    %dma_start3A_6 = tpu.memref_slice %arg4[%dma_start3A_5] : memref<32768xf32, #tpu.memory_space<vmem>> -> memref<16384xf32, #tpu.memory_space<vmem>>
    %dma_start3A_7 = tpu.memref_slice %arg2[%mul3A_2] : memref<1048576xf32, #tpu.memory_space<hbm>> -> memref<16384xf32, #tpu.memory_space<hbm>>
    tpu.enqueue_dma source(%dma_start3A_7 : memref<16384xf32, #tpu.memory_space<hbm>>) target(%dma_start3A_6 : memref<16384xf32, #tpu.memory_space<vmem>>) target_semaphore(%arg8 : memref<!tpu.dma_semaphore, #tpu.memory_space<semaphore_mem>>)
    %add3A_8 = arith.constant 16384 : i32
    %add3A_9 = arith.addi %mul3A_2, %add3A_8 : i32
    %dma_start3A_10 = arith.constant 16384 : i32
    %dma_start3A_11 = tpu.memref_slice %arg4[%dma_start3A_10] : memref<32768xf32, #tpu.memory_space<vmem>> -> memref<16384xf32, #tpu.memory_space<vmem>>
    %dma_start3A_12 = tpu.memref_slice %arg2[%add3A_9] : memref<1048576xf32, #tpu.memory_space<hbm>> -> memref<16384xf32, #tpu.memory_space<hbm>>
    %dma_start3A_13 = arith.constant 16384 : i32
    %dma_start3A_14 = tpu.memref_slice %arg4[%dma_start3A_13] : memref<32768xf32, #tpu.memory_space<vmem>> -> memref<16384xf32, #tpu.memory_space<vmem>>
    %dma_start3A_15 = tpu.memref_slice %arg2[%add3A_9] : memref<1048576xf32, #tpu.memory_space<hbm>> -> memref<16384xf32, #tpu.memory_space<hbm>>
    tpu.enqueue_dma source(%dma_start3A_15 : memref<16384xf32, #tpu.memory_space<hbm>>) target(%dma_start3A_14 : memref<16384xf32, #tpu.memory_space<vmem>>) target_semaphore(%arg9 : memref<!tpu.dma_semaphore, #tpu.memory_space<semaphore_mem>>)
    %iota3A = tpu.iota {dimensions = array<i32: 0>} : vector<16xi32>
    %broadcast_in_dim3A = arith.constant 0.000000e+00 : f32
    %broadcast_in_dim3A_16 = vector.broadcast %broadcast_in_dim3A : f32 to vector<16xf32>
    %shift_right_arithmetic3A = arith.constant 33825 : i32
    %shift_right_arithmetic3A_17 = vector.broadcast %shift_right_arithmetic3A : i32 to vector<16xi32>
    %shift_right_arithmetic3A_18 = arith.shrsi %shift_right_arithmetic3A_17, %iota3A : vector<16xi32>
    %and3A = arith.constant 1 : i32
    %and3A_19 = vector.broadcast %and3A : i32 to vector<16xi32>
    %and3A_20 = arith.andi %shift_right_arithmetic3A_18, %and3A_19 : vector<16xi32>
    %convert_element_type3A = arith.sitofp %and3A_20 : vector<16xi32> to vector<16xf32>
    %mul3A_21 = arith.constant 1.000000e+00 : f32
    %mul3A_22 = vector.broadcast %mul3A_21 : f32 to vector<16xf32>
    %mul3A_23 = arith.mulf %mul3A_22, %convert_element_type3A : vector<16xf32>
    %add3A_24 = arith.addf %broadcast_in_dim3A_16, %mul3A_23 : vector<16xf32>
    %swap3A = arith.constant 0 : index
    %swap3A_25 = tpu.vector_load %arg5[%swap3A] {strides = array<i32>} : memref<80xf32, #tpu.memory_space<vmem>>, vector<16xf32>,
    tpu.vector_store %arg5[%swap3A], %add3A_24 {strides = array<i32>} : memref<80xf32, #tpu.memory_space<vmem>>, vector<16xf32>,
    %broadcast_in_dim3A_26 = arith.constant 0.000000e+00 : f32
    %broadcast_in_dim3A_27 = vector.broadcast %broadcast_in_dim3A_26 : f32 to vector<16xf32>
    %shift_right_arithmetic3A_28 = arith.constant 33344 : i32
    %shift_right_arithmetic3A_29 = vector.broadcast %shift_right_arithmetic3A_28 : i32 to vector<16xi32>
    %shift_right_arithmetic3A_30 = arith.shrsi %shift_right_arithmetic3A_29, %iota3A : vector<16xi32>
    %and3A_31 = arith.constant 1 : i32
    %and3A_32 = vector.broadcast %and3A_31 : i32 to vector<16xi32>
    %and3A_33 = arith.andi %shift_right_arithmetic3A_30, %and3A_32 : vector<16xi32>
    %convert_element_type3A_34 = arith.sitofp %and3A_33 : vector<16xi32> to vector<16xf32>
    %mul3A_35 = arith.constant 3.090170e-01 : f32
    %mul3A_36 = vector.broadcast %mul3A_35 : f32 to vector<16xf32>
    %mul3A_37 = arith.mulf %mul3A_36, %convert_element_type3A_34 : vector<16xf32>
    %add3A_38 = arith.addf %broadcast_in_dim3A_27, %mul3A_37 : vector<16xf32>
    %shift_right_arithmetic3A_39 = arith.constant 18479 : i32
    %shift_right_arithmetic3A_40 = vector.broadcast %shift_right_arithmetic3A_39 : i32 to vector<16xi32>
    %shift_right_arithmetic3A_41 = arith.shrsi %shift_right_arithmetic3A_40, %iota3A : vector<16xi32>
    %and3A_42 = arith.constant 1 : i32
    %and3A_43 = vector.broadcast %and3A_42 : i32 to vector<16xi32>
    %and3A_44 = arith.andi %shift_right_arithmetic3A_41, %and3A_43 : vector<16xi32>
    %convert_element_type3A_45 = arith.sitofp %and3A_44 : vector<16xi32> to vector<16xf32>
    %mul3A_46 = arith.constant 5.000000e-01 : f32
    %mul3A_47 = vector.broadcast %mul3A_46 : f32 to vector<16xf32>
    %mul3A_48 = arith.mulf %mul3A_47, %convert_element_type3A_45 : vector<16xf32>
    %add3A_49 = arith.addf %add3A_38, %mul3A_48 : vector<16xf32>
    %shift_right_arithmetic3A_50 = arith.constant 4368 : i32
    %shift_right_arithmetic3A_51 = vector.broadcast %shift_right_arithmetic3A_50 : i32 to vector<16xi32>
    %shift_right_arithmetic3A_52 = arith.shrsi %shift_right_arithmetic3A_51, %iota3A : vector<16xi32>
    %and3A_53 = arith.constant 1 : i32
    %and3A_54 = vector.broadcast %and3A_53 : i32 to vector<16xi32>
    %and3A_55 = arith.andi %shift_right_arithmetic3A_52, %and3A_54 : vector<16xi32>
    %convert_element_type3A_56 = arith.sitofp %and3A_55 : vector<16xi32> to vector<16xf32>
    %mul3A_57 = arith.constant 8.090170e-01 : f32
    %mul3A_58 = vector.broadcast %mul3A_57 : f32 to vector<16xf32>
    %mul3A_59 = arith.mulf %mul3A_58, %convert_element_type3A_56 : vector<16xf32>
    %add3A_60 = arith.addf %add3A_49, %mul3A_59 : vector<16xf32>
    %swap3A_61 = arith.constant 16 : index
    %swap3A_62 = tpu.vector_load %arg5[%swap3A_61] {strides = array<i32>} : memref<80xf32, #tpu.memory_space<vmem>>, vector<16xf32>,
    tpu.vector_store %arg5[%swap3A_61], %add3A_60 {strides = array<i32>} : memref<80xf32, #tpu.memory_space<vmem>>, vector<16xf32>,
    %broadcast_in_dim3A_63 = arith.constant 0.000000e+00 : f32
    %broadcast_in_dim3A_64 = vector.broadcast %broadcast_in_dim3A_63 : f32 to vector<16xf32>
    %shift_right_arithmetic3A_65 = arith.constant 5160 : i32
    %shift_right_arithmetic3A_66 = vector.broadcast %shift_right_arithmetic3A_65 : i32 to vector<16xi32>
    %shift_right_arithmetic3A_67 = arith.shrsi %shift_right_arithmetic3A_66, %iota3A : vector<16xi32>
    %and3A_68 = arith.constant 1 : i32
    %and3A_69 = vector.broadcast %and3A_68 : i32 to vector<16xi32>
    %and3A_70 = arith.andi %shift_right_arithmetic3A_67, %and3A_69 : vector<16xi32>
    %convert_element_type3A_71 = arith.sitofp %and3A_70 : vector<16xi32> to vector<16xf32>
    %mul3A_72 = arith.constant 3.090170e-01 : f32
    %mul3A_73 = vector.broadcast %mul3A_72 : f32 to vector<16xf32>
    %mul3A_74 = arith.mulf %mul3A_73, %convert_element_type3A_71 : vector<16xf32>
    %add3A_75 = arith.addf %broadcast_in_dim3A_64, %mul3A_74 : vector<16xf32>
    %shift_right_arithmetic3A_76 = arith.constant 16657 : i32
    %shift_right_arithmetic3A_77 = vector.broadcast %shift_right_arithmetic3A_76 : i32 to vector<16xi32>
    %shift_right_arithmetic3A_78 = arith.shrsi %shift_right_arithmetic3A_77, %iota3A : vector<16xi32>
    %and3A_79 = arith.constant 1 : i32
    %and3A_80 = vector.broadcast %and3A_79 : i32 to vector<16xi32>
    %and3A_81 = arith.andi %shift_right_arithmetic3A_78, %and3A_80 : vector<16xi32>
    %convert_element_type3A_82 = arith.sitofp %and3A_81 : vector<16xi32> to vector<16xf32>
    %mul3A_83 = arith.constant 5.000000e-01 : f32
    %mul3A_84 = vector.broadcast %mul3A_83 : f32 to vector<16xf32>
    %mul3A_85 = arith.mulf %mul3A_84, %convert_element_type3A_82 : vector<16xf32>
    %add3A_86 = arith.addf %add3A_75, %mul3A_85 : vector<16xf32>
    %shift_right_arithmetic3A_87 = arith.constant 10306 : i32
    %shift_right_arithmetic3A_88 = vector.broadcast %shift_right_arithmetic3A_87 : i32 to vector<16xi32>
    %shift_right_arithmetic3A_89 = arith.shrsi %shift_right_arithmetic3A_88, %iota3A : vector<16xi32>
    %and3A_90 = arith.constant 1 : i32
    %and3A_91 = vector.broadcast %and3A_90 : i32 to vector<16xi32>
    %and3A_92 = arith.andi %shift_right_arithmetic3A_89, %and3A_91 : vector<16xi32>
    %convert_element_type3A_93 = arith.sitofp %and3A_92 : vector<16xi32> to vector<16xf32>
    %mul3A_94 = arith.constant 8.090170e-01 : f32
    %mul3A_95 = vector.broadcast %mul3A_94 : f32 to vector<16xf32>
    %mul3A_96 = arith.mulf %mul3A_95, %convert_element_type3A_93 : vector<16xf32>
    %add3A_97 = arith.addf %add3A_86, %mul3A_96 : vector<16xf32>
    %swap3A_98 = arith.constant 32 : index
    %swap3A_99 = tpu.vector_load %arg5[%swap3A_98] {strides = array<i32>} : memref<80xf32, #tpu.memory_space<vmem>>, vector<16xf32>,
    tpu.vector_store %arg5[%swap3A_98], %add3A_97 {strides = array<i32>} : memref<80xf32, #tpu.memory_space<vmem>>, vector<16xf32>,
    %broadcast_in_dim3A_100 = arith.constant 0.000000e+00 : f32
    %broadcast_in_dim3A_101 = vector.broadcast %broadcast_in_dim3A_100 : f32 to vector<16xf32>
    %shift_right_arithmetic3A_102 = arith.constant 33809 : i32
    %shift_right_arithmetic3A_103 = vector.broadcast %shift_right_arithmetic3A_102 : i32 to vector<16xi32>
    %shift_right_arithmetic3A_104 = arith.shrsi %shift_right_arithmetic3A_103, %iota3A : vector<16xi32>
    %and3A_105 = arith.constant 1 : i32
    %and3A_106 = vector.broadcast %and3A_105 : i32 to vector<16xi32>
    %and3A_107 = arith.andi %shift_right_arithmetic3A_104, %and3A_106 : vector<16xi32>
    %convert_element_type3A_108 = arith.sitofp %and3A_107 : vector<16xi32> to vector<16xf32>
    %mul3A_109 = arith.constant 3.090170e-01 : f32
    %mul3A_110 = vector.broadcast %mul3A_109 : f32 to vector<16xf32>
    %mul3A_111 = arith.mulf %mul3A_110, %convert_element_type3A_108 : vector<16xf32>
    %add3A_112 = arith.addf %broadcast_in_dim3A_101, %mul3A_111 : vector<16xf32>
    %shift_right_arithmetic3A_113 = arith.constant 10370 : i32
    %shift_right_arithmetic3A_114 = vector.broadcast %shift_right_arithmetic3A_113 : i32 to vector<16xi32>
    %shift_right_arithmetic3A_115 = arith.shrsi %shift_right_arithmetic3A_114, %iota3A : vector<16xi32>
    %and3A_116 = arith.constant 1 : i32
    %and3A_117 = vector.broadcast %and3A_116 : i32 to vector<16xi32>
    %and3A_118 = arith.andi %shift_right_arithmetic3A_115, %and3A_117 : vector<16xi32>
    %convert_element_type3A_119 = arith.sitofp %and3A_118 : vector<16xi32> to vector<16xf32>
    %mul3A_120 = arith.constant 5.000000e-01 : f32
    %mul3A_121 = vector.broadcast %mul3A_120 : f32 to vector<16xf32>
    %mul3A_122 = arith.mulf %mul3A_121, %convert_element_type3A_119 : vector<16xf32>
    %add3A_123 = arith.addf %add3A_112, %mul3A_122 : vector<16xf32>
    %shift_right_arithmetic3A_124 = arith.constant 16968 : i32
    %shift_right_arithmetic3A_125 = vector.broadcast %shift_right_arithmetic3A_124 : i32 to vector<16xi32>
    %shift_right_arithmetic3A_126 = arith.shrsi %shift_right_arithmetic3A_125, %iota3A : vector<16xi32>
    %and3A_127 = arith.constant 1 : i32
    %and3A_128 = vector.broadcast %and3A_127 : i32 to vector<16xi32>
    %and3A_129 = arith.andi %shift_right_arithmetic3A_126, %and3A_128 : vector<16xi32>
    %convert_element_type3A_130 = arith.sitofp %and3A_129 : vector<16xi32> to vector<16xf32>
    %mul3A_131 = arith.constant 8.090170e-01 : f32
    %mul3A_132 = vector.broadcast %mul3A_131 : f32 to vector<16xf32>
    %mul3A_133 = arith.mulf %mul3A_132, %convert_element_type3A_130 : vector<16xf32>
    %add3A_134 = arith.addf %add3A_123, %mul3A_133 : vector<16xf32>
    %swap3A_135 = arith.constant 48 : index
    %swap3A_136 = tpu.vector_load %arg5[%swap3A_135] {strides = array<i32>} : memref<80xf32, #tpu.memory_space<vmem>>, vector<16xf32>,
    tpu.vector_store %arg5[%swap3A_135], %add3A_134 {strides = array<i32>} : memref<80xf32, #tpu.memory_space<vmem>>, vector<16xf32>,
    %broadcast_in_dim3A_137 = arith.constant 0.000000e+00 : f32
    %broadcast_in_dim3A_138 = vector.broadcast %broadcast_in_dim3A_137 : f32 to vector<16xf32>
    %shift_right_arithmetic3A_139 = arith.constant 2 : i32
    %shift_right_arithmetic3A_140 = vector.broadcast %shift_right_arithmetic3A_139 : i32 to vector<16xi32>
    %shift_right_arithmetic3A_141 = arith.shrsi %shift_right_arithmetic3A_140, %iota3A : vector<16xi32>
    %and3A_142 = arith.constant 1 : i32
    %and3A_143 = vector.broadcast %and3A_142 : i32 to vector<16xi32>
    %and3A_144 = arith.andi %shift_right_arithmetic3A_141, %and3A_143 : vector<16xi32>
    %convert_element_type3A_145 = arith.sitofp %and3A_144 : vector<16xi32> to vector<16xf32>
    %mul3A_146 = arith.constant 3.090170e-01 : f32
    %mul3A_147 = vector.broadcast %mul3A_146 : f32 to vector<16xf32>
    %mul3A_148 = arith.mulf %mul3A_147, %convert_element_type3A_145 : vector<16xf32>
    %add3A_149 = arith.addf %broadcast_in_dim3A_138, %mul3A_148 : vector<16xf32>
    %shift_right_arithmetic3A_150 = arith.constant 4 : i32
    %shift_right_arithmetic3A_151 = vector.broadcast %shift_right_arithmetic3A_150 : i32 to vector<16xi32>
    %shift_right_arithmetic3A_152 = arith.shrsi %shift_right_arithmetic3A_151, %iota3A : vector<16xi32>
    %and3A_153 = arith.constant 1 : i32
    %and3A_154 = vector.broadcast %and3A_153 : i32 to vector<16xi32>
    %and3A_155 = arith.andi %shift_right_arithmetic3A_152, %and3A_154 : vector<16xi32>
    %convert_element_type3A_156 = arith.sitofp %and3A_155 : vector<16xi32> to vector<16xf32>
    %mul3A_157 = arith.constant 5.000000e-01 : f32
    %mul3A_158 = vector.broadcast %mul3A_157 : f32 to vector<16xf32>
    %mul3A_159 = arith.mulf %mul3A_158, %convert_element_type3A_156 : vector<16xf32>
    %add3A_160 = arith.addf %add3A_149, %mul3A_159 : vector<16xf32>
    %shift_right_arithmetic3A_161 = arith.constant 8 : i32
    %shift_right_arithmetic3A_162 = vector.broadcast %shift_right_arithmetic3A_161 : i32 to vector<16xi32>
    %shift_right_arithmetic3A_163 = arith.shrsi %shift_right_arithmetic3A_162, %iota3A : vector<16xi32>
    %and3A_164 = arith.constant 1 : i32
    %and3A_165 = vector.broadcast %and3A_164 : i32 to vector<16xi32>
    %and3A_166 = arith.andi %shift_right_arithmetic3A_163, %and3A_165 : vector<16xi32>
    %convert_element_type3A_167 = arith.sitofp %and3A_166 : vector<16xi32> to vector<16xf32>
    %mul3A_168 = arith.constant 8.090170e-01 : f32
    %mul3A_169 = vector.broadcast %mul3A_168 : f32 to vector<16xf32>
    %mul3A_170 = arith.mulf %mul3A_169, %convert_element_type3A_167 : vector<16xf32>
    %add3A_171 = arith.addf %add3A_160, %mul3A_170 : vector<16xf32>
    %swap3A_172 = arith.constant 64 : index
    %swap3A_173 = tpu.vector_load %arg5[%swap3A_172] {strides = array<i32>} : memref<80xf32, #tpu.memory_space<vmem>>, vector<16xf32>,
    tpu.vector_store %arg5[%swap3A_172], %add3A_171 {strides = array<i32>} : memref<80xf32, #tpu.memory_space<vmem>>, vector<16xf32>,
    %shift_right_arithmetic3A_174 = arith.constant 0 : i32
    %shift_right_arithmetic3A_175 = vector.broadcast %shift_right_arithmetic3A_174 : i32 to vector<16xi32>
    %shift_right_arithmetic3A_176 = arith.shrsi %iota3A, %shift_right_arithmetic3A_175 : vector<16xi32>
    %and3A_177 = arith.constant 1 : i32
    %and3A_178 = vector.broadcast %and3A_177 : i32 to vector<16xi32>
    %and3A_179 = arith.andi %shift_right_arithmetic3A_176, %and3A_178 : vector<16xi32>
    %mul3A_180 = arith.constant 2 : i32
    %mul3A_181 = vector.broadcast %mul3A_180 : i32 to vector<16xi32>
    %mul3A_182 = arith.muli %mul3A_181, %and3A_179 : vector<16xi32>
    %sub3A = arith.constant 1 : i32
    %sub3A_183 = vector.broadcast %sub3A : i32 to vector<16xi32>
    %sub3A_184 = arith.subi %sub3A_183, %mul3A_182 : vector<16xi32>
    %convert_element_type3A_185 = arith.sitofp %sub3A_184 : vector<16xi32> to vector<16xf32>
    %shift_right_arithmetic3A_186 = arith.constant 1 : i32
    %shift_right_arithmetic3A_187 = vector.broadcast %shift_right_arithmetic3A_186 : i32 to vector<16xi32>
    %shift_right_arithmetic3A_188 = arith.shrsi %iota3A, %shift_right_arithmetic3A_187 : vector<16xi32>
    %and3A_189 = arith.constant 1 : i32
    %and3A_190 = vector.broadcast %and3A_189 : i32 to vector<16xi32>
    %and3A_191 = arith.andi %shift_right_arithmetic3A_188, %and3A_190 : vector<16xi32>
    %mul3A_192 = arith.constant 2 : i32
    %mul3A_193 = vector.broadcast %mul3A_192 : i32 to vector<16xi32>
    %mul3A_194 = arith.muli %mul3A_193, %and3A_191 : vector<16xi32>
    %sub3A_195 = arith.constant 1 : i32
    %sub3A_196 = vector.broadcast %sub3A_195 : i32 to vector<16xi32>
    %sub3A_197 = arith.subi %sub3A_196, %mul3A_194 : vector<16xi32>
    %convert_element_type3A_198 = arith.sitofp %sub3A_197 : vector<16xi32> to vector<16xf32>
    %shift_right_arithmetic3A_199 = arith.constant 2 : i32
    %shift_right_arithmetic3A_200 = vector.broadcast %shift_right_arithmetic3A_199 : i32 to vector<16xi32>
    %shift_right_arithmetic3A_201 = arith.shrsi %iota3A, %shift_right_arithmetic3A_200 : vector<16xi32>
    %and3A_202 = arith.constant 1 : i32
    %and3A_203 = vector.broadcast %and3A_202 : i32 to vector<16xi32>
    %and3A_204 = arith.andi %shift_right_arithmetic3A_201, %and3A_203 : vector<16xi32>
    %mul3A_205 = arith.constant 2 : i32
    %mul3A_206 = vector.broadcast %mul3A_205 : i32 to vector<16xi32>
    %mul3A_207 = arith.muli %mul3A_206, %and3A_204 : vector<16xi32>
    %sub3A_208 = arith.constant 1 : i32
    %sub3A_209 = vector.broadcast %sub3A_208 : i32 to vector<16xi32>
    %sub3A_210 = arith.subi %sub3A_209, %mul3A_207 : vector<16xi32>
    %convert_element_type3A_211 = arith.sitofp %sub3A_210 : vector<16xi32> to vector<16xf32>
    %shift_right_arithmetic3A_212 = arith.constant 3 : i32
    %shift_right_arithmetic3A_213 = vector.broadcast %shift_right_arithmetic3A_212 : i32 to vector<16xi32>
    %shift_right_arithmetic3A_214 = arith.shrsi %iota3A, %shift_right_arithmetic3A_213 : vector<16xi32>
    %and3A_215 = arith.constant 1 : i32
    %and3A_216 = vector.broadcast %and3A_215 : i32 to vector<16xi32>
    %and3A_217 = arith.andi %shift_right_arithmetic3A_214, %and3A_216 : vector<16xi32>
    %mul3A_218 = arith.constant 2 : i32
    %mul3A_219 = vector.broadcast %mul3A_218 : i32 to vector<16xi32>
    %mul3A_220 = arith.muli %mul3A_219, %and3A_217 : vector<16xi32>
    %sub3A_221 = arith.constant 1 : i32
    %sub3A_222 = vector.broadcast %sub3A_221 : i32 to vector<16xi32>
    %sub3A_223 = arith.subi %sub3A_222, %mul3A_220 : vector<16xi32>
    %convert_element_type3A_224 = arith.sitofp %sub3A_223 : vector<16xi32> to vector<16xf32>
    %broadcast_in_dim3A_225 = arith.constant 0.000000e+00 : f32
    %broadcast_in_dim3A_226 = vector.broadcast %broadcast_in_dim3A_225 : f32 to vector<16xf32>
    %mul3A_227 = arith.constant 2.916000e+03 : f32
    %mul3A_228 = vector.broadcast %mul3A_227 : f32 to vector<16xf32>
    %mul3A_229 = arith.mulf %convert_element_type3A_185, %mul3A_228 : vector<16xf32>
    %add3A_230 = arith.addf %broadcast_in_dim3A_226, %mul3A_229 : vector<16xf32>
    %convert_element_type3A_231 = arith.fptosi %add3A_230 : vector<16xf32> to vector<16xi32>
    %add3A_232 = arith.constant 3280 : i32
    %add3A_233 = vector.broadcast %add3A_232 : i32 to vector<16xi32>
    %add3A_234 = arith.addi %convert_element_type3A_231, %add3A_233 : vector<16xi32>
    %broadcast_in_dim3A_235 = arith.constant 0 : i32
    %broadcast_in_dim3A_236 = vector.broadcast %broadcast_in_dim3A_235 : i32 to vector<16xi32>
    tpu.vector_store_idx %arg7[%add3A_234], %broadcast_in_dim3A_236 : memref<6568xi32, #tpu.memory_space<vmem>>[vector<16xi32>], vector<16xi32>,
    %broadcast_in_dim3A_237 = arith.constant 0.000000e+00 : f32
    %broadcast_in_dim3A_238 = vector.broadcast %broadcast_in_dim3A_237 : f32 to vector<16xf32>
    %mul3A_239 = arith.constant 3.240000e+02 : f32
    %mul3A_240 = vector.broadcast %mul3A_239 : f32 to vector<16xf32>
    %mul3A_241 = arith.mulf %convert_element_type3A_198, %mul3A_240 : vector<16xf32>
    %add3A_242 = arith.addf %broadcast_in_dim3A_238, %mul3A_241 : vector<16xf32>
    %convert_element_type3A_243 = arith.fptosi %add3A_242 : vector<16xf32> to vector<16xi32>
    %add3A_244 = arith.constant 3280 : i32
    %add3A_245 = vector.broadcast %add3A_244 : i32 to vector<16xi32>
    %add3A_246 = arith.addi %convert_element_type3A_243, %add3A_245 : vector<16xi32>
    %broadcast_in_dim3A_247 = arith.constant 4 : i32
    %broadcast_in_dim3A_248 = vector.broadcast %broadcast_in_dim3A_247 : i32 to vector<16xi32>
    tpu.vector_store_idx %arg7[%add3A_246], %broadcast_in_dim3A_248 : memref<6568xi32, #tpu.memory_space<vmem>>[vector<16xi32>], vector<16xi32>,
    %broadcast_in_dim3A_249 = arith.constant 0.000000e+00 : f32
    %broadcast_in_dim3A_250 = vector.broadcast %broadcast_in_dim3A_249 : f32 to vector<16xf32>
    %mul3A_251 = arith.constant 3.600000e+01 : f32
    %mul3A_252 = vector.broadcast %mul3A_251 : f32 to vector<16xf32>
    %mul3A_253 = arith.mulf %convert_element_type3A_211, %mul3A_252 : vector<16xf32>
    %add3A_254 = arith.addf %broadcast_in_dim3A_250, %mul3A_253 : vector<16xf32>
    %convert_element_type3A_255 = arith.fptosi %add3A_254 : vector<16xf32> to vector<16xi32>
    %add3A_256 = arith.constant 3280 : i32
    %add3A_257 = vector.broadcast %add3A_256 : i32 to vector<16xi32>
    %add3A_258 = arith.addi %convert_element_type3A_255, %add3A_257 : vector<16xi32>
    %broadcast_in_dim3A_259 = arith.constant 8 : i32
    %broadcast_in_dim3A_260 = vector.broadcast %broadcast_in_dim3A_259 : i32 to vector<16xi32>
    tpu.vector_store_idx %arg7[%add3A_258], %broadcast_in_dim3A_260 : memref<6568xi32, #tpu.memory_space<vmem>>[vector<16xi32>], vector<16xi32>,
    %broadcast_in_dim3A_261 = arith.constant 0.000000e+00 : f32
    %broadcast_in_dim3A_262 = vector.broadcast %broadcast_in_dim3A_261 : f32 to vector<16xf32>
    %mul3A_263 = arith.constant 4.000000e+00 : f32
    %mul3A_264 = vector.broadcast %mul3A_263 : f32 to vector<16xf32>
    %mul3A_265 = arith.mulf %convert_element_type3A_224, %mul3A_264 : vector<16xf32>
    %add3A_266 = arith.addf %broadcast_in_dim3A_262, %mul3A_265 : vector<16xf32>
    %convert_element_type3A_267 = arith.fptosi %add3A_266 : vector<16xf32> to vector<16xi32>
    %add3A_268 = arith.constant 3280 : i32
    %add3A_269 = vector.broadcast %add3A_268 : i32 to vector<16xi32>
    %add3A_270 = arith.addi %convert_element_type3A_267, %add3A_269 : vector<16xi32>
    %broadcast_in_dim3A_271 = arith.constant 12 : i32
    %broadcast_in_dim3A_272 = vector.broadcast %broadcast_in_dim3A_271 : i32 to vector<16xi32>
    tpu.vector_store_idx %arg7[%add3A_270], %broadcast_in_dim3A_272 : memref<6568xi32, #tpu.memory_space<vmem>>[vector<16xi32>], vector<16xi32>,
    %broadcast_in_dim3A_273 = arith.constant 0.000000e+00 : f32
    %broadcast_in_dim3A_274 = vector.broadcast %broadcast_in_dim3A_273 : f32 to vector<16xf32>
    %mul3A_275 = arith.constant 1.458000e+03 : f32
    %mul3A_276 = vector.broadcast %mul3A_275 : f32 to vector<16xf32>
    %mul3A_277 = arith.mulf %convert_element_type3A_185, %mul3A_276 : vector<16xf32>
    %add3A_278 = arith.addf %broadcast_in_dim3A_274, %mul3A_277 : vector<16xf32>
    %mul3A_279 = arith.constant 1.620000e+02 : f32
    %mul3A_280 = vector.broadcast %mul3A_279 : f32 to vector<16xf32>
    %mul3A_281 = arith.mulf %convert_element_type3A_198, %mul3A_280 : vector<16xf32>
    %add3A_282 = arith.addf %add3A_278, %mul3A_281 : vector<16xf32>
    %mul3A_283 = arith.constant 1.800000e+01 : f32
    %mul3A_284 = vector.broadcast %mul3A_283 : f32 to vector<16xf32>
    %mul3A_285 = arith.mulf %convert_element_type3A_211, %mul3A_284 : vector<16xf32>
    %add3A_286 = arith.addf %add3A_282, %mul3A_285 : vector<16xf32>
    %mul3A_287 = arith.constant 2.000000e+00 : f32
    %mul3A_288 = vector.broadcast %mul3A_287 : f32 to vector<16xf32>
    %mul3A_289 = arith.mulf %convert_element_type3A_224, %mul3A_288 : vector<16xf32>
    %add3A_290 = arith.addf %add3A_286, %mul3A_289 : vector<16xf32>
    %convert_element_type3A_291 = arith.fptosi %add3A_290 : vector<16xf32> to vector<16xi32>
    %add3A_292 = arith.constant 3280 : i32
    %add3A_293 = vector.broadcast %add3A_292 : i32 to vector<16xi32>
    %add3A_294 = arith.addi %convert_element_type3A_291, %add3A_293 : vector<16xi32>
    %broadcast_in_dim3A_295 = arith.constant 16 : i32
    %broadcast_in_dim3A_296 = vector.broadcast %broadcast_in_dim3A_295 : i32 to vector<16xi32>
    tpu.vector_store_idx %arg7[%add3A_294], %broadcast_in_dim3A_296 : memref<6568xi32, #tpu.memory_space<vmem>>[vector<16xi32>], vector<16xi32>,
    %broadcast_in_dim3A_297 = arith.constant 0.000000e+00 : f32
    %broadcast_in_dim3A_298 = vector.broadcast %broadcast_in_dim3A_297 : f32 to vector<16xf32>
    %mul3A_299 = arith.constant 2.187000e+03 : f32
    %mul3A_300 = vector.broadcast %mul3A_299 : f32 to vector<16xf32>
    %mul3A_301 = arith.mulf %convert_element_type3A_185, %mul3A_300 : vector<16xf32>
    %add3A_302 = arith.addf %broadcast_in_dim3A_298, %mul3A_301 : vector<16xf32>
    %mul3A_303 = arith.constant 1.620000e+02 : f32
    %mul3A_304 = vector.broadcast %mul3A_303 : f32 to vector<16xf32>
    %mul3A_305 = arith.mulf %convert_element_type3A_198, %mul3A_304 : vector<16xf32>
    %add3A_306 = arith.addf %add3A_302, %mul3A_305 : vector<16xf32>
    %mul3A_307 = arith.constant 9.000000e+00 : f32
    %mul3A_308 = vector.broadcast %mul3A_307 : f32 to vector<16xf32>
    %mul3A_309 = arith.mulf %convert_element_type3A_211, %mul3A_308 : vector<16xf32>
    %add3A_310 = arith.addf %add3A_306, %mul3A_309 : vector<16xf32>
    %convert_element_type3A_311 = arith.fptosi %add3A_310 : vector<16xf32> to vector<16xi32>
    %add3A_312 = arith.constant 3280 : i32
    %add3A_313 = vector.broadcast %add3A_312 : i32 to vector<16xi32>
    %add3A_314 = arith.addi %convert_element_type3A_311, %add3A_313 : vector<16xi32>
    %broadcast_in_dim3A_315 = arith.constant 20 : i32
    %broadcast_in_dim3A_316 = vector.broadcast %broadcast_in_dim3A_315 : i32 to vector<16xi32>
    tpu.vector_store_idx %arg7[%add3A_314], %broadcast_in_dim3A_316 : memref<6568xi32, #tpu.memory_space<vmem>>[vector<16xi32>], vector<16xi32>,
    %broadcast_in_dim3A_317 = arith.constant 0.000000e+00 : f32
    %broadcast_in_dim3A_318 = vector.broadcast %broadcast_in_dim3A_317 : f32 to vector<16xf32>
    %mul3A_319 = arith.constant 2.187000e+03 : f32
    %mul3A_320 = vector.broadcast %mul3A_319 : f32 to vector<16xf32>
    %mul3A_321 = arith.mulf %convert_element_type3A_185, %mul3A_320 : vector<16xf32>
    %add3A_322 = arith.addf %broadcast_in_dim3A_318, %mul3A_321 : vector<16xf32>
    %mul3A_323 = arith.constant 8.100000e+01 : f32
    %mul3A_324 = vector.broadcast %mul3A_323 : f32 to vector<16xf32>
    %mul3A_325 = arith.mulf %convert_element_type3A_198, %mul3A_324 : vector<16xf32>
    %add3A_326 = arith.addf %add3A_322, %mul3A_325 : vector<16xf32>
    %mul3A_327 = arith.constant 2.000000e+00 : f32
    %mul3A_328 = vector.broadcast %mul3A_327 : f32 to vector<16xf32>
    %mul3A_329 = arith.mulf %convert_element_type3A_224, %mul3A_328 : vector<16xf32>
    %add3A_330 = arith.addf %add3A_326, %mul3A_329 : vector<16xf32>
    %convert_element_type3A_331 = arith.fptosi %add3A_330 : vector<16xf32> to vector<16xi32>
    %add3A_332 = arith.constant 3280 : i32
    %add3A_333 = vector.broadcast %add3A_332 : i32 to vector<16xi32>
    %add3A_334 = arith.addi %convert_element_type3A_331, %add3A_333 : vector<16xi32>
    %broadcast_in_dim3A_335 = arith.constant 24 : i32
    %broadcast_in_dim3A_336 = vector.broadcast %broadcast_in_dim3A_335 : i32 to vector<16xi32>
    tpu.vector_store_idx %arg7[%add3A_334], %broadcast_in_dim3A_336 : memref<6568xi32, #tpu.memory_space<vmem>>[vector<16xi32>], vector<16xi32>,
    %broadcast_in_dim3A_337 = arith.constant 0.000000e+00 : f32
    %broadcast_in_dim3A_338 = vector.broadcast %broadcast_in_dim3A_337 : f32 to vector<16xf32>
    %mul3A_339 = arith.constant 2.187000e+03 : f32
    %mul3A_340 = vector.broadcast %mul3A_339 : f32 to vector<16xf32>
    %mul3A_341 = arith.mulf %convert_element_type3A_185, %mul3A_340 : vector<16xf32>
    %add3A_342 = arith.addf %broadcast_in_dim3A_338, %mul3A_341 : vector<16xf32>
    %mul3A_343 = arith.constant 1.800000e+01 : f32
    %mul3A_344 = vector.broadcast %mul3A_343 : f32 to vector<16xf32>
    %mul3A_345 = arith.mulf %convert_element_type3A_211, %mul3A_344 : vector<16xf32>
    %add3A_346 = arith.addf %add3A_342, %mul3A_345 : vector<16xf32>
    %mul3A_347 = arith.constant 1.000000e+00 : f32
    %mul3A_348 = vector.broadcast %mul3A_347 : f32 to vector<16xf32>
    %mul3A_349 = arith.mulf %convert_element_type3A_224, %mul3A_348 : vector<16xf32>
    %add3A_350 = arith.addf %add3A_346, %mul3A_349 : vector<16xf32>
    %convert_element_type3A_351 = arith.fptosi %add3A_350 : vector<16xf32> to vector<16xi32>
    %add3A_352 = arith.constant 3280 : i32
    %add3A_353 = vector.broadcast %add3A_352 : i32 to vector<16xi32>
    %add3A_354 = arith.addi %convert_element_type3A_351, %add3A_353 : vector<16xi32>
    %broadcast_in_dim3A_355 = arith.constant 28 : i32
    %broadcast_in_dim3A_356 = vector.broadcast %broadcast_in_dim3A_355 : i32 to vector<16xi32>
    tpu.vector_store_idx %arg7[%add3A_354], %broadcast_in_dim3A_356 : memref<6568xi32, #tpu.memory_space<vmem>>[vector<16xi32>], vector<16xi32>,
    %broadcast_in_dim3A_357 = arith.constant 0.000000e+00 : f32
    %broadcast_in_dim3A_358 = vector.broadcast %broadcast_in_dim3A_357 : f32 to vector<16xf32>
    %mul3A_359 = arith.constant 1.458000e+03 : f32
    %mul3A_360 = vector.broadcast %mul3A_359 : f32 to vector<16xf32>
    %mul3A_361 = arith.mulf %convert_element_type3A_185, %mul3A_360 : vector<16xf32>
    %add3A_362 = arith.addf %broadcast_in_dim3A_358, %mul3A_361 : vector<16xf32>
    %mul3A_363 = arith.constant 2.430000e+02 : f32
    %mul3A_364 = vector.broadcast %mul3A_363 : f32 to vector<16xf32>
    %mul3A_365 = arith.mulf %convert_element_type3A_198, %mul3A_364 : vector<16xf32>
    %add3A_366 = arith.addf %add3A_362, %mul3A_365 : vector<16xf32>
    %mul3A_367 = arith.constant 1.000000e+00 : f32
    %mul3A_368 = vector.broadcast %mul3A_367 : f32 to vector<16xf32>
    %mul3A_369 = arith.mulf %convert_element_type3A_224, %mul3A_368 : vector<16xf32>
    %add3A_370 = arith.addf %add3A_366, %mul3A_369 : vector<16xf32>
    %convert_element_type3A_371 = arith.fptosi %add3A_370 : vector<16xf32> to vector<16xi32>
    %add3A_372 = arith.constant 3280 : i32
    %add3A_373 = vector.broadcast %add3A_372 : i32 to vector<16xi32>
    %add3A_374 = arith.addi %convert_element_type3A_371, %add3A_373 : vector<16xi32>
    %broadcast_in_dim3A_375 = arith.constant 32 : i32
    %broadcast_in_dim3A_376 = vector.broadcast %broadcast_in_dim3A_375 : i32 to vector<16xi32>
    tpu.vector_store_idx %arg7[%add3A_374], %broadcast_in_dim3A_376 : memref<6568xi32, #tpu.memory_space<vmem>>[vector<16xi32>], vector<16xi32>,
    %broadcast_in_dim3A_377 = arith.constant 0.000000e+00 : f32
    %broadcast_in_dim3A_378 = vector.broadcast %broadcast_in_dim3A_377 : f32 to vector<16xf32>
    %mul3A_379 = arith.constant 1.458000e+03 : f32
    %mul3A_380 = vector.broadcast %mul3A_379 : f32 to vector<16xf32>
    %mul3A_381 = arith.mulf %convert_element_type3A_185, %mul3A_380 : vector<16xf32>
    %add3A_382 = arith.addf %broadcast_in_dim3A_378, %mul3A_381 : vector<16xf32>
    %mul3A_383 = arith.constant 8.100000e+01 : f32
    %mul3A_384 = vector.broadcast %mul3A_383 : f32 to vector<16xf32>
    %mul3A_385 = arith.mulf %convert_element_type3A_198, %mul3A_384 : vector<16xf32>
    %add3A_386 = arith.addf %add3A_382, %mul3A_385 : vector<16xf32>
    %mul3A_387 = arith.constant 2.700000e+01 : f32
    %mul3A_388 = vector.broadcast %mul3A_387 : f32 to vector<16xf32>
    %mul3A_389 = arith.mulf %convert_element_type3A_211, %mul3A_388 : vector<16xf32>
    %add3A_390 = arith.addf %add3A_386, %mul3A_389 : vector<16xf32>
    %convert_element_type3A_391 = arith.fptosi %add3A_390 : vector<16xf32> to vector<16xi32>
    %add3A_392 = arith.constant 3280 : i32
    %add3A_393 = vector.broadcast %add3A_392 : i32 to vector<16xi32>
    %add3A_394 = arith.addi %convert_element_type3A_391, %add3A_393 : vector<16xi32>
    %broadcast_in_dim3A_395 = arith.constant 36 : i32
    %broadcast_in_dim3A_396 = vector.broadcast %broadcast_in_dim3A_395 : i32 to vector<16xi32>
    tpu.vector_store_idx %arg7[%add3A_394], %broadcast_in_dim3A_396 : memref<6568xi32, #tpu.memory_space<vmem>>[vector<16xi32>], vector<16xi32>,
    %broadcast_in_dim3A_397 = arith.constant 0.000000e+00 : f32
    %broadcast_in_dim3A_398 = vector.broadcast %broadcast_in_dim3A_397 : f32 to vector<16xf32>
    %mul3A_399 = arith.constant 1.458000e+03 : f32
    %mul3A_400 = vector.broadcast %mul3A_399 : f32 to vector<16xf32>
    %mul3A_401 = arith.mulf %convert_element_type3A_185, %mul3A_400 : vector<16xf32>
    %add3A_402 = arith.addf %broadcast_in_dim3A_398, %mul3A_401 : vector<16xf32>
    %mul3A_403 = arith.constant 9.000000e+00 : f32
    %mul3A_404 = vector.broadcast %mul3A_403 : f32 to vector<16xf32>
    %mul3A_405 = arith.mulf %convert_element_type3A_211, %mul3A_404 : vector<16xf32>
    %add3A_406 = arith.addf %add3A_402, %mul3A_405 : vector<16xf32>
    %mul3A_407 = arith.constant 3.000000e+00 : f32
    %mul3A_408 = vector.broadcast %mul3A_407 : f32 to vector<16xf32>
    %mul3A_409 = arith.mulf %convert_element_type3A_224, %mul3A_408 : vector<16xf32>
    %add3A_410 = arith.addf %add3A_406, %mul3A_409 : vector<16xf32>
    %convert_element_type3A_411 = arith.fptosi %add3A_410 : vector<16xf32> to vector<16xi32>
    %add3A_412 = arith.constant 3280 : i32
    %add3A_413 = vector.broadcast %add3A_412 : i32 to vector<16xi32>
    %add3A_414 = arith.addi %convert_element_type3A_411, %add3A_413 : vector<16xi32>
    %broadcast_in_dim3A_415 = arith.constant 40 : i32
    %broadcast_in_dim3A_416 = vector.broadcast %broadcast_in_dim3A_415 : i32 to vector<16xi32>
    tpu.vector_store_idx %arg7[%add3A_414], %broadcast_in_dim3A_416 : memref<6568xi32, #tpu.memory_space<vmem>>[vector<16xi32>], vector<16xi32>,
    %broadcast_in_dim3A_417 = arith.constant 0.000000e+00 : f32
    %broadcast_in_dim3A_418 = vector.broadcast %broadcast_in_dim3A_417 : f32 to vector<16xf32>
    %mul3A_419 = arith.constant 7.290000e+02 : f32
    %mul3A_420 = vector.broadcast %mul3A_419 : f32 to vector<16xf32>
    %mul3A_421 = arith.mulf %convert_element_type3A_185, %mul3A_420 : vector<16xf32>
    %add3A_422 = arith.addf %broadcast_in_dim3A_418, %mul3A_421 : vector<16xf32>
    %mul3A_423 = arith.constant 2.430000e+02 : f32
    %mul3A_424 = vector.broadcast %mul3A_423 : f32 to vector<16xf32>
    %mul3A_425 = arith.mulf %convert_element_type3A_198, %mul3A_424 : vector<16xf32>
    %add3A_426 = arith.addf %add3A_422, %mul3A_425 : vector<16xf32>
    %mul3A_427 = arith.constant 1.800000e+01 : f32
    %mul3A_428 = vector.broadcast %mul3A_427 : f32 to vector<16xf32>
    %mul3A_429 = arith.mulf %convert_element_type3A_211, %mul3A_428 : vector<16xf32>
    %add3A_430 = arith.addf %add3A_426, %mul3A_429 : vector<16xf32>
    %convert_element_type3A_431 = arith.fptosi %add3A_430 : vector<16xf32> to vector<16xi32>
    %add3A_432 = arith.constant 3280 : i32
    %add3A_433 = vector.broadcast %add3A_432 : i32 to vector<16xi32>
    %add3A_434 = arith.addi %convert_element_type3A_431, %add3A_433 : vector<16xi32>
    %broadcast_in_dim3A_435 = arith.constant 44 : i32
    %broadcast_in_dim3A_436 = vector.broadcast %broadcast_in_dim3A_435 : i32 to vector<16xi32>
    tpu.vector_store_idx %arg7[%add3A_434], %broadcast_in_dim3A_436 : memref<6568xi32, #tpu.memory_space<vmem>>[vector<16xi32>], vector<16xi32>,
    %broadcast_in_dim3A_437 = arith.constant 0.000000e+00 : f32
    %broadcast_in_dim3A_438 = vector.broadcast %broadcast_in_dim3A_437 : f32 to vector<16xf32>
    %mul3A_439 = arith.constant 7.290000e+02 : f32
    %mul3A_440 = vector.broadcast %mul3A_439 : f32 to vector<16xf32>
    %mul3A_441 = arith.mulf %convert_element_type3A_185, %mul3A_440 : vector<16xf32>
    %add3A_442 = arith.addf %broadcast_in_dim3A_438, %mul3A_441 : vector<16xf32>
    %mul3A_443 = arith.constant 1.620000e+02 : f32
    %mul3A_444 = vector.broadcast %mul3A_443 : f32 to vector<16xf32>
    %mul3A_445 = arith.mulf %convert_element_type3A_198, %mul3A_444 : vector<16xf32>
    %add3A_446 = arith.addf %add3A_442, %mul3A_445 : vector<16xf32>
    %mul3A_447 = arith.constant 3.000000e+00 : f32
    %mul3A_448 = vector.broadcast %mul3A_447 : f32 to vector<16xf32>
    %mul3A_449 = arith.mulf %convert_element_type3A_224, %mul3A_448 : vector<16xf32>
    %add3A_450 = arith.addf %add3A_446, %mul3A_449 : vector<16xf32>
    %convert_element_type3A_451 = arith.fptosi %add3A_450 : vector<16xf32> to vector<16xi32>
    %add3A_452 = arith.constant 3280 : i32
    %add3A_453 = vector.broadcast %add3A_452 : i32 to vector<16xi32>
    %add3A_454 = arith.addi %convert_element_type3A_451, %add3A_453 : vector<16xi32>
    %broadcast_in_dim3A_455 = arith.constant 48 : i32
    %broadcast_in_dim3A_456 = vector.broadcast %broadcast_in_dim3A_455 : i32 to vector<16xi32>
    tpu.vector_store_idx %arg7[%add3A_454], %broadcast_in_dim3A_456 : memref<6568xi32, #tpu.memory_space<vmem>>[vector<16xi32>], vector<16xi32>,
    %broadcast_in_dim3A_457 = arith.constant 0.000000e+00 : f32
    %broadcast_in_dim3A_458 = vector.broadcast %broadcast_in_dim3A_457 : f32 to vector<16xf32>
    %mul3A_459 = arith.constant 7.290000e+02 : f32
    %mul3A_460 = vector.broadcast %mul3A_459 : f32 to vector<16xf32>
    %mul3A_461 = arith.mulf %convert_element_type3A_185, %mul3A_460 : vector<16xf32>
    %add3A_462 = arith.addf %broadcast_in_dim3A_458, %mul3A_461 : vector<16xf32>
    %mul3A_463 = arith.constant 2.700000e+01 : f32
    %mul3A_464 = vector.broadcast %mul3A_463 : f32 to vector<16xf32>
    %mul3A_465 = arith.mulf %convert_element_type3A_211, %mul3A_464 : vector<16xf32>
    %add3A_466 = arith.addf %add3A_462, %mul3A_465 : vector<16xf32>
    %mul3A_467 = arith.constant 2.000000e+00 : f32
    %mul3A_468 = vector.broadcast %mul3A_467 : f32 to vector<16xf32>
    %mul3A_469 = arith.mulf %convert_element_type3A_224, %mul3A_468 : vector<16xf32>
    %add3A_470 = arith.addf %add3A_466, %mul3A_469 : vector<16xf32>
    %convert_element_type3A_471 = arith.fptosi %add3A_470 : vector<16xf32> to vector<16xi32>
    %add3A_472 = arith.constant 3280 : i32
    %add3A_473 = vector.broadcast %add3A_472 : i32 to vector<16xi32>
    %add3A_474 = arith.addi %convert_element_type3A_471, %add3A_473 : vector<16xi32>
    %broadcast_in_dim3A_475 = arith.constant 52 : i32
    %broadcast_in_dim3A_476 = vector.broadcast %broadcast_in_dim3A_475 : i32 to vector<16xi32>
    tpu.vector_store_idx %arg7[%add3A_474], %broadcast_in_dim3A_476 : memref<6568xi32, #tpu.memory_space<vmem>>[vector<16xi32>], vector<16xi32>,
    %broadcast_in_dim3A_477 = arith.constant 0.000000e+00 : f32
    %broadcast_in_dim3A_478 = vector.broadcast %broadcast_in_dim3A_477 : f32 to vector<16xf32>
    %mul3A_479 = arith.constant 2.430000e+02 : f32
    %mul3A_480 = vector.broadcast %mul3A_479 : f32 to vector<16xf32>
    %mul3A_481 = arith.mulf %convert_element_type3A_198, %mul3A_480 : vector<16xf32>
    %add3A_482 = arith.addf %broadcast_in_dim3A_478, %mul3A_481 : vector<16xf32>
    %mul3A_483 = arith.constant 9.000000e+00 : f32
    %mul3A_484 = vector.broadcast %mul3A_483 : f32 to vector<16xf32>
    %mul3A_485 = arith.mulf %convert_element_type3A_211, %mul3A_484 : vector<16xf32>
    %add3A_486 = arith.addf %add3A_482, %mul3A_485 : vector<16xf32>
    %mul3A_487 = arith.constant 2.000000e+00 : f32
    %mul3A_488 = vector.broadcast %mul3A_487 : f32 to vector<16xf32>
    %mul3A_489 = arith.mulf %convert_element_type3A_224, %mul3A_488 : vector<16xf32>
    %add3A_490 = arith.addf %add3A_486, %mul3A_489 : vector<16xf32>
    %convert_element_type3A_491 = arith.fptosi %add3A_490 : vector<16xf32> to vector<16xi32>
    %add3A_492 = arith.constant 3280 : i32
    %add3A_493 = vector.broadcast %add3A_492 : i32 to vector<16xi32>
    %add3A_494 = arith.addi %convert_element_type3A_491, %add3A_493 : vector<16xi32>
    %broadcast_in_dim3A_495 = arith.constant 56 : i32
    %broadcast_in_dim3A_496 = vector.broadcast %broadcast_in_dim3A_495 : i32 to vector<16xi32>
    tpu.vector_store_idx %arg7[%add3A_494], %broadcast_in_dim3A_496 : memref<6568xi32, #tpu.memory_space<vmem>>[vector<16xi32>], vector<16xi32>,
    %broadcast_in_dim3A_497 = arith.constant 0.000000e+00 : f32
    %broadcast_in_dim3A_498 = vector.broadcast %broadcast_in_dim3A_497 : f32 to vector<16xf32>
    %mul3A_499 = arith.constant 1.620000e+02 : f32
    %mul3A_500 = vector.broadcast %mul3A_499 : f32 to vector<16xf32>
    %mul3A_501 = arith.mulf %convert_element_type3A_198, %mul3A_500 : vector<16xf32>
    %add3A_502 = arith.addf %broadcast_in_dim3A_498, %mul3A_501 : vector<16xf32>
    %mul3A_503 = arith.constant 2.700000e+01 : f32
    %mul3A_504 = vector.broadcast %mul3A_503 : f32 to vector<16xf32>
    %mul3A_505 = arith.mulf %convert_element_type3A_211, %mul3A_504 : vector<16xf32>
    %add3A_506 = arith.addf %add3A_502, %mul3A_505 : vector<16xf32>
    %mul3A_507 = arith.constant 1.000000e+00 : f32
    %mul3A_508 = vector.broadcast %mul3A_507 : f32 to vector<16xf32>
    %mul3A_509 = arith.mulf %convert_element_type3A_224, %mul3A_508 : vector<16xf32>
    %add3A_510 = arith.addf %add3A_506, %mul3A_509 : vector<16xf32>
    %convert_element_type3A_511 = arith.fptosi %add3A_510 : vector<16xf32> to vector<16xi32>
    %add3A_512 = arith.constant 3280 : i32
    %add3A_513 = vector.broadcast %add3A_512 : i32 to vector<16xi32>
    %add3A_514 = arith.addi %convert_element_type3A_511, %add3A_513 : vector<16xi32>
    %broadcast_in_dim3A_515 = arith.constant 60 : i32
    %broadcast_in_dim3A_516 = vector.broadcast %broadcast_in_dim3A_515 : i32 to vector<16xi32>
    tpu.vector_store_idx %arg7[%add3A_514], %broadcast_in_dim3A_516 : memref<6568xi32, #tpu.memory_space<vmem>>[vector<16xi32>], vector<16xi32>,
    %broadcast_in_dim3A_517 = arith.constant 0.000000e+00 : f32
    %broadcast_in_dim3A_518 = vector.broadcast %broadcast_in_dim3A_517 : f32 to vector<16xf32>
    %mul3A_519 = arith.constant 8.100000e+01 : f32
    %mul3A_520 = vector.broadcast %mul3A_519 : f32 to vector<16xf32>
    %mul3A_521 = arith.mulf %convert_element_type3A_198, %mul3A_520 : vector<16xf32>
    %add3A_522 = arith.addf %broadcast_in_dim3A_518, %mul3A_521 : vector<16xf32>
    %mul3A_523 = arith.constant 1.800000e+01 : f32
    %mul3A_524 = vector.broadcast %mul3A_523 : f32 to vector<16xf32>
    %mul3A_525 = arith.mulf %convert_element_type3A_211, %mul3A_524 : vector<16xf32>
    %add3A_526 = arith.addf %add3A_522, %mul3A_525 : vector<16xf32>
    %mul3A_527 = arith.constant 3.000000e+00 : f32
    %mul3A_528 = vector.broadcast %mul3A_527 : f32 to vector<16xf32>
    %mul3A_529 = arith.mulf %convert_element_type3A_224, %mul3A_528 : vector<16xf32>
    %add3A_530 = arith.addf %add3A_526, %mul3A_529 : vector<16xf32>
    %convert_element_type3A_531 = arith.fptosi %add3A_530 : vector<16xf32> to vector<16xi32>
    %add3A_532 = arith.constant 3280 : i32
    %add3A_533 = vector.broadcast %add3A_532 : i32 to vector<16xi32>
    %add3A_534 = arith.addi %convert_element_type3A_531, %add3A_533 : vector<16xi32>
    %broadcast_in_dim3A_535 = arith.constant 64 : i32
    %broadcast_in_dim3A_536 = vector.broadcast %broadcast_in_dim3A_535 : i32 to vector<16xi32>
    tpu.vector_store_idx %arg7[%add3A_534], %broadcast_in_dim3A_536 : memref<6568xi32, #tpu.memory_space<vmem>>[vector<16xi32>], vector<16xi32>,
    %dma_wait3A = arith.constant 0 : i32
    %dma_wait3A_537 = tpu.memref_slice %arg4[%dma_wait3A] : memref<32768xf32, #tpu.memory_space<vmem>> -> memref<16384xf32, #tpu.memory_space<vmem>>
    %dma_wait3A_538 = tpu.memref_slice %arg2[%mul3A_2] : memref<1048576xf32, #tpu.memory_space<hbm>> -> memref<16384xf32, #tpu.memory_space<hbm>>
    %dma_wait3A_539 = arith.constant 0 : i32
    %dma_wait3A_540 = tpu.memref_slice %arg4[%dma_wait3A_539] : memref<32768xf32, #tpu.memory_space<vmem>> -> memref<16384xf32, #tpu.memory_space<vmem>>
    %dma_wait3A_541 = tpu.memref_slice %arg2[%mul3A_2] : memref<1048576xf32, #tpu.memory_space<hbm>> -> memref<16384xf32, #tpu.memory_space<hbm>>
    tpu.wait_dma2 semaphore(%arg8 : memref<!tpu.dma_semaphore, #tpu.memory_space<semaphore_mem>>) src(%dma_wait3A_541 : memref<16384xf32, #tpu.memory_space<hbm>>) dst(%dma_wait3A_540 : memref<16384xf32, #tpu.memory_space<vmem>>)
    %parallel_loop3A = arith.constant 0 : i32
    %parallel_loop3A_542 = arith.constant 256 : i32
    %parallel_loop3A_543 = arith.constant 1 : i32
    scf.for %parallel_loop3A_567 = %parallel_loop3A to %parallel_loop3A_542 step %parallel_loop3A_543  : i32 {
      %parallel_loop3A_568 = arith.constant 3 : i32
      %parallel_loop3A_569 = arith.shrsi %parallel_loop3A_567, %parallel_loop3A_568 : i32
      %parallel_loop3A_570 = arith.constant 512 : i32
      %parallel_loop3A_571 = arith.muli %parallel_loop3A_569, %parallel_loop3A_570 : i32
      %parallel_loop3A_572 = arith.constant 7 : i32
      %parallel_loop3A_573 = arith.andi %parallel_loop3A_567, %parallel_loop3A_572 : i32
      %parallel_loop3A_574 = arith.constant 16 : i32
      %parallel_loop3A_575 = arith.muli %parallel_loop3A_573, %parallel_loop3A_574 : i32
      %parallel_loop3A_576 = arith.addi %parallel_loop3A_571, %parallel_loop3A_575 : i32
      %parallel_loop3A_577 = arith.constant 0 : i32
      %parallel_loop3A_578 = arith.addi %parallel_loop3A_576, %parallel_loop3A_577 : i32
      %parallel_loop3A_579 = arith.index_cast %parallel_loop3A_578 : i32 to index
      %parallel_loop3A_580 = tpu.vector_load %arg4[%parallel_loop3A_579] {strides = array<i32>} : memref<32768xf32, #tpu.memory_space<vmem>>, vector<16xf32>,
      %parallel_loop3A_581 = arith.constant 128 : i32
      %parallel_loop3A_582 = arith.addi %parallel_loop3A_576, %parallel_loop3A_581 : i32
      %parallel_loop3A_583 = arith.index_cast %parallel_loop3A_582 : i32 to index
      %parallel_loop3A_584 = tpu.vector_load %arg4[%parallel_loop3A_583] {strides = array<i32>} : memref<32768xf32, #tpu.memory_space<vmem>>, vector<16xf32>,
      %parallel_loop3A_585 = arith.constant 256 : i32
      %parallel_loop3A_586 = arith.addi %parallel_loop3A_576, %parallel_loop3A_585 : i32
      %parallel_loop3A_587 = arith.index_cast %parallel_loop3A_586 : i32 to index
      %parallel_loop3A_588 = tpu.vector_load %arg4[%parallel_loop3A_587] {strides = array<i32>} : memref<32768xf32, #tpu.memory_space<vmem>>, vector<16xf32>,
      %parallel_loop3A_589 = arith.constant 384 : i32
      %parallel_loop3A_590 = arith.addi %parallel_loop3A_576, %parallel_loop3A_589 : i32
      %parallel_loop3A_591 = arith.index_cast %parallel_loop3A_590 : i32 to index
      %parallel_loop3A_592 = tpu.vector_load %arg4[%parallel_loop3A_591] {strides = array<i32>} : memref<32768xf32, #tpu.memory_space<vmem>>, vector<16xf32>,
      %parallel_loop3A_593 = arith.constant 6.553700e+04 : f32
      %parallel_loop3A_594 = vector.broadcast %parallel_loop3A_593 : f32 to vector<16xf32>
      %parallel_loop3A_595 = arith.mulf %parallel_loop3A_580, %parallel_loop3A_594 : vector<16xf32>
      %parallel_loop3A_596 = arith.subf %parallel_loop3A_580, %parallel_loop3A_595 : vector<16xf32>
      %parallel_loop3A_597 = arith.addf %parallel_loop3A_595, %parallel_loop3A_596 : vector<16xf32>
      %parallel_loop3A_598 = arith.constant 6.553700e+04 : f32
      %parallel_loop3A_599 = vector.broadcast %parallel_loop3A_598 : f32 to vector<16xf32>
      %parallel_loop3A_600 = arith.mulf %parallel_loop3A_584, %parallel_loop3A_599 : vector<16xf32>
      %parallel_loop3A_601 = arith.subf %parallel_loop3A_584, %parallel_loop3A_600 : vector<16xf32>
      %parallel_loop3A_602 = arith.addf %parallel_loop3A_600, %parallel_loop3A_601 : vector<16xf32>
      %parallel_loop3A_603 = arith.constant 6.553700e+04 : f32
      %parallel_loop3A_604 = vector.broadcast %parallel_loop3A_603 : f32 to vector<16xf32>
      %parallel_loop3A_605 = arith.mulf %parallel_loop3A_588, %parallel_loop3A_604 : vector<16xf32>
      %parallel_loop3A_606 = arith.subf %parallel_loop3A_588, %parallel_loop3A_605 : vector<16xf32>
      %parallel_loop3A_607 = arith.addf %parallel_loop3A_605, %parallel_loop3A_606 : vector<16xf32>
      %parallel_loop3A_608 = arith.constant 6.553700e+04 : f32
      %parallel_loop3A_609 = vector.broadcast %parallel_loop3A_608 : f32 to vector<16xf32>
      %parallel_loop3A_610 = arith.mulf %parallel_loop3A_592, %parallel_loop3A_609 : vector<16xf32>
      %parallel_loop3A_611 = arith.subf %parallel_loop3A_592, %parallel_loop3A_610 : vector<16xf32>
      %parallel_loop3A_612 = arith.addf %parallel_loop3A_610, %parallel_loop3A_611 : vector<16xf32>
      %parallel_loop3A_613 = math.absf %parallel_loop3A_597 : vector<16xf32>
      %parallel_loop3A_614 = math.absf %parallel_loop3A_602 : vector<16xf32>
      %parallel_loop3A_615 = math.absf %parallel_loop3A_607 : vector<16xf32>
      %parallel_loop3A_616 = math.absf %parallel_loop3A_612 : vector<16xf32>
      %parallel_loop3A_617 = arith.constant 0.000000e+00 : f32
      %parallel_loop3A_618 = vector.broadcast %parallel_loop3A_617 : f32 to vector<16xf32>
      %parallel_loop3A_619 = arith.cmpf olt, %parallel_loop3A_597, %parallel_loop3A_618 : vector<16xf32>
      %parallel_loop3A_620 = arith.constant 0.000000e+00 : f32
      %parallel_loop3A_621 = vector.broadcast %parallel_loop3A_620 : f32 to vector<16xf32>
      %parallel_loop3A_622 = arith.cmpf olt, %parallel_loop3A_602, %parallel_loop3A_621 : vector<16xf32>
      %parallel_loop3A_623 = arith.constant 0.000000e+00 : f32
      %parallel_loop3A_624 = vector.broadcast %parallel_loop3A_623 : f32 to vector<16xf32>
      %parallel_loop3A_625 = arith.cmpf olt, %parallel_loop3A_607, %parallel_loop3A_624 : vector<16xf32>
      %parallel_loop3A_626 = arith.constant 0.000000e+00 : f32
      %parallel_loop3A_627 = vector.broadcast %parallel_loop3A_626 : f32 to vector<16xf32>
      %parallel_loop3A_628 = arith.cmpf olt, %parallel_loop3A_612, %parallel_loop3A_627 : vector<16xf32>
      %parallel_loop3A_629 = arith.constant 1.000000e+00 : f32
      %parallel_loop3A_630 = vector.broadcast %parallel_loop3A_629 : f32 to vector<16xf32>
      %parallel_loop3A_631 = arith.constant 0.000000e+00 : f32
      %parallel_loop3A_632 = vector.broadcast %parallel_loop3A_631 : f32 to vector<16xf32>
      %parallel_loop3A_633 = arith.subf %parallel_loop3A_632, %parallel_loop3A_630 : vector<16xf32>
      %parallel_loop3A_634 = arith.select %parallel_loop3A_619, %parallel_loop3A_633, %parallel_loop3A_630 : vector<16xi1>, vector<16xf32>
      %parallel_loop3A_635 = arith.constant 0.000000e+00 : f32
      %parallel_loop3A_636 = vector.broadcast %parallel_loop3A_635 : f32 to vector<16xf32>
      %parallel_loop3A_637 = arith.subf %parallel_loop3A_636, %parallel_loop3A_630 : vector<16xf32>
      %parallel_loop3A_638 = arith.select %parallel_loop3A_622, %parallel_loop3A_637, %parallel_loop3A_630 : vector<16xi1>, vector<16xf32>
      %parallel_loop3A_639 = arith.constant 0.000000e+00 : f32
      %parallel_loop3A_640 = vector.broadcast %parallel_loop3A_639 : f32 to vector<16xf32>
      %parallel_loop3A_641 = arith.subf %parallel_loop3A_640, %parallel_loop3A_630 : vector<16xf32>
      %parallel_loop3A_642 = arith.select %parallel_loop3A_625, %parallel_loop3A_641, %parallel_loop3A_630 : vector<16xi1>, vector<16xf32>
      %parallel_loop3A_643 = arith.constant 0.000000e+00 : f32
      %parallel_loop3A_644 = vector.broadcast %parallel_loop3A_643 : f32 to vector<16xf32>
      %parallel_loop3A_645 = arith.subf %parallel_loop3A_644, %parallel_loop3A_630 : vector<16xf32>
      %parallel_loop3A_646 = arith.select %parallel_loop3A_628, %parallel_loop3A_645, %parallel_loop3A_630 : vector<16xi1>, vector<16xf32>
      %parallel_loop3A_647 = arith.constant 7.290000e+02 : f32
      %parallel_loop3A_648 = vector.broadcast %parallel_loop3A_647 : f32 to vector<16xf32>
      %parallel_loop3A_649 = arith.mulf %parallel_loop3A_634, %parallel_loop3A_648 : vector<16xf32>
      %parallel_loop3A_650 = arith.constant 8.100000e+01 : f32
      %parallel_loop3A_651 = vector.broadcast %parallel_loop3A_650 : f32 to vector<16xf32>
      %parallel_loop3A_652 = arith.mulf %parallel_loop3A_638, %parallel_loop3A_651 : vector<16xf32>
      %parallel_loop3A_653 = arith.constant 9.000000e+00 : f32
      %parallel_loop3A_654 = vector.broadcast %parallel_loop3A_653 : f32 to vector<16xf32>
      %parallel_loop3A_655 = arith.mulf %parallel_loop3A_642, %parallel_loop3A_654 : vector<16xf32>
      %parallel_loop3A_656 = arith.constant 2.000000e+00 : f32
      %parallel_loop3A_657 = vector.broadcast %parallel_loop3A_656 : f32 to vector<16xf32>
      %parallel_loop3A_658 = arith.mulf %parallel_loop3A_649, %parallel_loop3A_657 : vector<16xf32>
      %parallel_loop3A_659 = arith.constant 2.000000e+00 : f32
      %parallel_loop3A_660 = vector.broadcast %parallel_loop3A_659 : f32 to vector<16xf32>
      %parallel_loop3A_661 = arith.mulf %parallel_loop3A_652, %parallel_loop3A_660 : vector<16xf32>
      %parallel_loop3A_662 = arith.constant 2.000000e+00 : f32
      %parallel_loop3A_663 = vector.broadcast %parallel_loop3A_662 : f32 to vector<16xf32>
      %parallel_loop3A_664 = arith.mulf %parallel_loop3A_655, %parallel_loop3A_663 : vector<16xf32>
      %parallel_loop3A_665 = arith.constant 2.000000e+00 : f32
      %parallel_loop3A_666 = vector.broadcast %parallel_loop3A_665 : f32 to vector<16xf32>
      %parallel_loop3A_667 = arith.mulf %parallel_loop3A_646, %parallel_loop3A_666 : vector<16xf32>
      %parallel_loop3A_668 = arith.constant 3.000000e+00 : f32
      %parallel_loop3A_669 = vector.broadcast %parallel_loop3A_668 : f32 to vector<16xf32>
      %parallel_loop3A_670 = arith.mulf %parallel_loop3A_649, %parallel_loop3A_669 : vector<16xf32>
      %parallel_loop3A_671 = arith.constant 3.000000e+00 : f32
      %parallel_loop3A_672 = vector.broadcast %parallel_loop3A_671 : f32 to vector<16xf32>
      %parallel_loop3A_673 = arith.mulf %parallel_loop3A_652, %parallel_loop3A_672 : vector<16xf32>
      %parallel_loop3A_674 = arith.constant 3.000000e+00 : f32
      %parallel_loop3A_675 = vector.broadcast %parallel_loop3A_674 : f32 to vector<16xf32>
      %parallel_loop3A_676 = arith.mulf %parallel_loop3A_655, %parallel_loop3A_675 : vector<16xf32>
      %parallel_loop3A_677 = arith.constant 3.000000e+00 : f32
      %parallel_loop3A_678 = vector.broadcast %parallel_loop3A_677 : f32 to vector<16xf32>
      %parallel_loop3A_679 = arith.mulf %parallel_loop3A_646, %parallel_loop3A_678 : vector<16xf32>
      %parallel_loop3A_680 = arith.constant 4.000000e+00 : f32
      %parallel_loop3A_681 = vector.broadcast %parallel_loop3A_680 : f32 to vector<16xf32>
      %parallel_loop3A_682 = arith.mulf %parallel_loop3A_649, %parallel_loop3A_681 : vector<16xf32>
      %parallel_loop3A_683 = arith.constant 4.000000e+00 : f32
      %parallel_loop3A_684 = vector.broadcast %parallel_loop3A_683 : f32 to vector<16xf32>
      %parallel_loop3A_685 = arith.mulf %parallel_loop3A_652, %parallel_loop3A_684 : vector<16xf32>
      %parallel_loop3A_686 = arith.constant 4.000000e+00 : f32
      %parallel_loop3A_687 = vector.broadcast %parallel_loop3A_686 : f32 to vector<16xf32>
      %parallel_loop3A_688 = arith.mulf %parallel_loop3A_655, %parallel_loop3A_687 : vector<16xf32>
      %parallel_loop3A_689 = arith.constant 4.000000e+00 : f32
      %parallel_loop3A_690 = vector.broadcast %parallel_loop3A_689 : f32 to vector<16xf32>
      %parallel_loop3A_691 = arith.mulf %parallel_loop3A_646, %parallel_loop3A_690 : vector<16xf32>
      %parallel_loop3A_692 = arith.constant 0.80859375 : f32
      %parallel_loop3A_693 = vector.broadcast %parallel_loop3A_692 : f32 to vector<16xf32>
      %parallel_loop3A_694 = arith.mulf %parallel_loop3A_693, %parallel_loop3A_613 : vector<16xf32>
      %parallel_loop3A_695 = arith.constant 0.80859375 : f32
      %parallel_loop3A_696 = vector.broadcast %parallel_loop3A_695 : f32 to vector<16xf32>
      %parallel_loop3A_697 = arith.mulf %parallel_loop3A_696, %parallel_loop3A_614 : vector<16xf32>
      %parallel_loop3A_698 = arith.constant 0.80859375 : f32
      %parallel_loop3A_699 = vector.broadcast %parallel_loop3A_698 : f32 to vector<16xf32>
      %parallel_loop3A_700 = arith.mulf %parallel_loop3A_699, %parallel_loop3A_615 : vector<16xf32>
      %parallel_loop3A_701 = arith.constant 0.80859375 : f32
      %parallel_loop3A_702 = vector.broadcast %parallel_loop3A_701 : f32 to vector<16xf32>
      %parallel_loop3A_703 = arith.mulf %parallel_loop3A_702, %parallel_loop3A_616 : vector<16xf32>
      %parallel_loop3A_704 = arith.constant 5.000000e-01 : f32
      %parallel_loop3A_705 = vector.broadcast %parallel_loop3A_704 : f32 to vector<16xf32>
      %parallel_loop3A_706 = arith.mulf %parallel_loop3A_705, %parallel_loop3A_613 : vector<16xf32>
      %parallel_loop3A_707 = arith.constant 5.000000e-01 : f32
      %parallel_loop3A_708 = vector.broadcast %parallel_loop3A_707 : f32 to vector<16xf32>
      %parallel_loop3A_709 = arith.mulf %parallel_loop3A_708, %parallel_loop3A_614 : vector<16xf32>
      %parallel_loop3A_710 = arith.constant 5.000000e-01 : f32
      %parallel_loop3A_711 = vector.broadcast %parallel_loop3A_710 : f32 to vector<16xf32>
      %parallel_loop3A_712 = arith.mulf %parallel_loop3A_711, %parallel_loop3A_615 : vector<16xf32>
      %parallel_loop3A_713 = arith.constant 5.000000e-01 : f32
      %parallel_loop3A_714 = vector.broadcast %parallel_loop3A_713 : f32 to vector<16xf32>
      %parallel_loop3A_715 = arith.mulf %parallel_loop3A_714, %parallel_loop3A_616 : vector<16xf32>
      %parallel_loop3A_716 = arith.constant 0.30859375 : f32
      %parallel_loop3A_717 = vector.broadcast %parallel_loop3A_716 : f32 to vector<16xf32>
      %parallel_loop3A_718 = arith.mulf %parallel_loop3A_717, %parallel_loop3A_613 : vector<16xf32>
      %parallel_loop3A_719 = arith.constant 0.30859375 : f32
      %parallel_loop3A_720 = vector.broadcast %parallel_loop3A_719 : f32 to vector<16xf32>
      %parallel_loop3A_721 = arith.mulf %parallel_loop3A_720, %parallel_loop3A_614 : vector<16xf32>
      %parallel_loop3A_722 = arith.constant 0.30859375 : f32
      %parallel_loop3A_723 = vector.broadcast %parallel_loop3A_722 : f32 to vector<16xf32>
      %parallel_loop3A_724 = arith.mulf %parallel_loop3A_723, %parallel_loop3A_615 : vector<16xf32>
      %parallel_loop3A_725 = arith.constant 0.30859375 : f32
      %parallel_loop3A_726 = vector.broadcast %parallel_loop3A_725 : f32 to vector<16xf32>
      %parallel_loop3A_727 = arith.mulf %parallel_loop3A_726, %parallel_loop3A_616 : vector<16xf32>
      %parallel_loop3A_728 = arith.addf %parallel_loop3A_706, %parallel_loop3A_709 : vector<16xf32>
      %parallel_loop3A_729 = arith.addf %parallel_loop3A_728, %parallel_loop3A_712 : vector<16xf32>
      %parallel_loop3A_730 = arith.addf %parallel_loop3A_729, %parallel_loop3A_715 : vector<16xf32>
      %parallel_loop3A_731 = arith.addf %parallel_loop3A_658, %parallel_loop3A_661 : vector<16xf32>
      %parallel_loop3A_732 = arith.addf %parallel_loop3A_731, %parallel_loop3A_664 : vector<16xf32>
      %parallel_loop3A_733 = arith.addf %parallel_loop3A_732, %parallel_loop3A_667 : vector<16xf32>
      %parallel_loop3A_734 = arith.addf %parallel_loop3A_694, %parallel_loop3A_709 : vector<16xf32>
      %parallel_loop3A_735 = arith.addf %parallel_loop3A_734, %parallel_loop3A_724 : vector<16xf32>
      %parallel_loop3A_736 = arith.addf %parallel_loop3A_670, %parallel_loop3A_661 : vector<16xf32>
      %parallel_loop3A_737 = arith.addf %parallel_loop3A_736, %parallel_loop3A_655 : vector<16xf32>
      %parallel_loop3A_738 = arith.addf %parallel_loop3A_694, %parallel_loop3A_721 : vector<16xf32>
      %parallel_loop3A_739 = arith.addf %parallel_loop3A_738, %parallel_loop3A_715 : vector<16xf32>
      %parallel_loop3A_740 = arith.addf %parallel_loop3A_670, %parallel_loop3A_652 : vector<16xf32>
      %parallel_loop3A_741 = arith.addf %parallel_loop3A_740, %parallel_loop3A_667 : vector<16xf32>
      %parallel_loop3A_742 = arith.addf %parallel_loop3A_694, %parallel_loop3A_712 : vector<16xf32>
      %parallel_loop3A_743 = arith.addf %parallel_loop3A_742, %parallel_loop3A_727 : vector<16xf32>
      %parallel_loop3A_744 = arith.addf %parallel_loop3A_670, %parallel_loop3A_664 : vector<16xf32>
      %parallel_loop3A_745 = arith.addf %parallel_loop3A_744, %parallel_loop3A_646 : vector<16xf32>
      %parallel_loop3A_746 = arith.addf %parallel_loop3A_706, %parallel_loop3A_697 : vector<16xf32>
      %parallel_loop3A_747 = arith.addf %parallel_loop3A_746, %parallel_loop3A_727 : vector<16xf32>
      %parallel_loop3A_748 = arith.addf %parallel_loop3A_658, %parallel_loop3A_673 : vector<16xf32>
      %parallel_loop3A_749 = arith.addf %parallel_loop3A_748, %parallel_loop3A_646 : vector<16xf32>
      %parallel_loop3A_750 = arith.addf %parallel_loop3A_706, %parallel_loop3A_721 : vector<16xf32>
      %parallel_loop3A_751 = arith.addf %parallel_loop3A_750, %parallel_loop3A_700 : vector<16xf32>
      %parallel_loop3A_752 = arith.addf %parallel_loop3A_658, %parallel_loop3A_652 : vector<16xf32>
      %parallel_loop3A_753 = arith.addf %parallel_loop3A_752, %parallel_loop3A_676 : vector<16xf32>
      %parallel_loop3A_754 = arith.addf %parallel_loop3A_706, %parallel_loop3A_724 : vector<16xf32>
      %parallel_loop3A_755 = arith.addf %parallel_loop3A_754, %parallel_loop3A_703 : vector<16xf32>
      %parallel_loop3A_756 = arith.addf %parallel_loop3A_658, %parallel_loop3A_655 : vector<16xf32>
      %parallel_loop3A_757 = arith.addf %parallel_loop3A_756, %parallel_loop3A_679 : vector<16xf32>
      %parallel_loop3A_758 = arith.addf %parallel_loop3A_718, %parallel_loop3A_697 : vector<16xf32>
      %parallel_loop3A_759 = arith.addf %parallel_loop3A_758, %parallel_loop3A_712 : vector<16xf32>
      %parallel_loop3A_760 = arith.addf %parallel_loop3A_649, %parallel_loop3A_673 : vector<16xf32>
      %parallel_loop3A_761 = arith.addf %parallel_loop3A_760, %parallel_loop3A_664 : vector<16xf32>
      %parallel_loop3A_762 = arith.addf %parallel_loop3A_718, %parallel_loop3A_709 : vector<16xf32>
      %parallel_loop3A_763 = arith.addf %parallel_loop3A_762, %parallel_loop3A_703 : vector<16xf32>
      %parallel_loop3A_764 = arith.addf %parallel_loop3A_649, %parallel_loop3A_661 : vector<16xf32>
      %parallel_loop3A_765 = arith.addf %parallel_loop3A_764, %parallel_loop3A_679 : vector<16xf32>
      %parallel_loop3A_766 = arith.addf %parallel_loop3A_718, %parallel_loop3A_700 : vector<16xf32>
      %parallel_loop3A_767 = arith.addf %parallel_loop3A_766, %parallel_loop3A_715 : vector<16xf32>
      %parallel_loop3A_768 = arith.addf %parallel_loop3A_649, %parallel_loop3A_676 : vector<16xf32>
      %parallel_loop3A_769 = arith.addf %parallel_loop3A_768, %parallel_loop3A_667 : vector<16xf32>
      %parallel_loop3A_770 = arith.addf %parallel_loop3A_697, %parallel_loop3A_724 : vector<16xf32>
      %parallel_loop3A_771 = arith.addf %parallel_loop3A_770, %parallel_loop3A_715 : vector<16xf32>
      %parallel_loop3A_772 = arith.addf %parallel_loop3A_673, %parallel_loop3A_655 : vector<16xf32>
      %parallel_loop3A_773 = arith.addf %parallel_loop3A_772, %parallel_loop3A_667 : vector<16xf32>
      %parallel_loop3A_774 = arith.addf %parallel_loop3A_709, %parallel_loop3A_700 : vector<16xf32>
      %parallel_loop3A_775 = arith.addf %parallel_loop3A_774, %parallel_loop3A_727 : vector<16xf32>
      %parallel_loop3A_776 = arith.addf %parallel_loop3A_661, %parallel_loop3A_676 : vector<16xf32>
      %parallel_loop3A_777 = arith.addf %parallel_loop3A_776, %parallel_loop3A_646 : vector<16xf32>
      %parallel_loop3A_778 = arith.addf %parallel_loop3A_721, %parallel_loop3A_712 : vector<16xf32>
      %parallel_loop3A_779 = arith.addf %parallel_loop3A_778, %parallel_loop3A_703 : vector<16xf32>
      %parallel_loop3A_780 = arith.addf %parallel_loop3A_652, %parallel_loop3A_664 : vector<16xf32>
      %parallel_loop3A_781 = arith.addf %parallel_loop3A_780, %parallel_loop3A_679 : vector<16xf32>
      %parallel_loop3A_782 = arith.maximumf %parallel_loop3A_613, %parallel_loop3A_614 : vector<16xf32>
      %parallel_loop3A_783 = arith.maximumf %parallel_loop3A_615, %parallel_loop3A_616 : vector<16xf32>
      %parallel_loop3A_784 = arith.maximumf %parallel_loop3A_730, %parallel_loop3A_735 : vector<16xf32>
      %parallel_loop3A_785 = arith.maximumf %parallel_loop3A_739, %parallel_loop3A_743 : vector<16xf32>
      %parallel_loop3A_786 = arith.maximumf %parallel_loop3A_747, %parallel_loop3A_751 : vector<16xf32>
      %parallel_loop3A_787 = arith.maximumf %parallel_loop3A_755, %parallel_loop3A_759 : vector<16xf32>
      %parallel_loop3A_788 = arith.maximumf %parallel_loop3A_763, %parallel_loop3A_767 : vector<16xf32>
      %parallel_loop3A_789 = arith.maximumf %parallel_loop3A_771, %parallel_loop3A_775 : vector<16xf32>
      %parallel_loop3A_790 = arith.maximumf %parallel_loop3A_782, %parallel_loop3A_783 : vector<16xf32>
      %parallel_loop3A_791 = arith.maximumf %parallel_loop3A_784, %parallel_loop3A_785 : vector<16xf32>
      %parallel_loop3A_792 = arith.maximumf %parallel_loop3A_786, %parallel_loop3A_787 : vector<16xf32>
      %parallel_loop3A_793 = arith.maximumf %parallel_loop3A_788, %parallel_loop3A_789 : vector<16xf32>
      %parallel_loop3A_794 = arith.maximumf %parallel_loop3A_790, %parallel_loop3A_791 : vector<16xf32>
      %parallel_loop3A_795 = arith.maximumf %parallel_loop3A_792, %parallel_loop3A_793 : vector<16xf32>
      %parallel_loop3A_796 = arith.maximumf %parallel_loop3A_794, %parallel_loop3A_795 : vector<16xf32>
      %parallel_loop3A_797 = arith.maximumf %parallel_loop3A_796, %parallel_loop3A_779 : vector<16xf32>
      %parallel_loop3A_798 = arith.constant 1.000000e+09 : f32
      %parallel_loop3A_799 = vector.broadcast %parallel_loop3A_798 : f32 to vector<16xf32>
      %parallel_loop3A_800 = arith.cmpf oeq, %parallel_loop3A_613, %parallel_loop3A_797 : vector<16xf32>
      %parallel_loop3A_801 = arith.select %parallel_loop3A_800, %parallel_loop3A_682, %parallel_loop3A_799 : vector<16xi1>, vector<16xf32>
      %parallel_loop3A_802 = arith.cmpf oeq, %parallel_loop3A_614, %parallel_loop3A_797 : vector<16xf32>
      %parallel_loop3A_803 = arith.select %parallel_loop3A_802, %parallel_loop3A_685, %parallel_loop3A_799 : vector<16xi1>, vector<16xf32>
      %parallel_loop3A_804 = arith.cmpf oeq, %parallel_loop3A_615, %parallel_loop3A_797 : vector<16xf32>
      %parallel_loop3A_805 = arith.select %parallel_loop3A_804, %parallel_loop3A_688, %parallel_loop3A_799 : vector<16xi1>, vector<16xf32>
      %parallel_loop3A_806 = arith.cmpf oeq, %parallel_loop3A_616, %parallel_loop3A_797 : vector<16xf32>
      %parallel_loop3A_807 = arith.select %parallel_loop3A_806, %parallel_loop3A_691, %parallel_loop3A_799 : vector<16xi1>, vector<16xf32>
      %parallel_loop3A_808 = arith.cmpf oeq, %parallel_loop3A_730, %parallel_loop3A_797 : vector<16xf32>
      %parallel_loop3A_809 = arith.select %parallel_loop3A_808, %parallel_loop3A_733, %parallel_loop3A_799 : vector<16xi1>, vector<16xf32>
      %parallel_loop3A_810 = arith.cmpf oeq, %parallel_loop3A_735, %parallel_loop3A_797 : vector<16xf32>
      %parallel_loop3A_811 = arith.select %parallel_loop3A_810, %parallel_loop3A_737, %parallel_loop3A_799 : vector<16xi1>, vector<16xf32>
      %parallel_loop3A_812 = arith.cmpf oeq, %parallel_loop3A_739, %parallel_loop3A_797 : vector<16xf32>
      %parallel_loop3A_813 = arith.select %parallel_loop3A_812, %parallel_loop3A_741, %parallel_loop3A_799 : vector<16xi1>, vector<16xf32>
      %parallel_loop3A_814 = arith.cmpf oeq, %parallel_loop3A_743, %parallel_loop3A_797 : vector<16xf32>
      %parallel_loop3A_815 = arith.select %parallel_loop3A_814, %parallel_loop3A_745, %parallel_loop3A_799 : vector<16xi1>, vector<16xf32>
      %parallel_loop3A_816 = arith.cmpf oeq, %parallel_loop3A_747, %parallel_loop3A_797 : vector<16xf32>
      %parallel_loop3A_817 = arith.select %parallel_loop3A_816, %parallel_loop3A_749, %parallel_loop3A_799 : vector<16xi1>, vector<16xf32>
      %parallel_loop3A_818 = arith.cmpf oeq, %parallel_loop3A_751, %parallel_loop3A_797 : vector<16xf32>
      %parallel_loop3A_819 = arith.select %parallel_loop3A_818, %parallel_loop3A_753, %parallel_loop3A_799 : vector<16xi1>, vector<16xf32>
      %parallel_loop3A_820 = arith.cmpf oeq, %parallel_loop3A_755, %parallel_loop3A_797 : vector<16xf32>
      %parallel_loop3A_821 = arith.select %parallel_loop3A_820, %parallel_loop3A_757, %parallel_loop3A_799 : vector<16xi1>, vector<16xf32>
      %parallel_loop3A_822 = arith.cmpf oeq, %parallel_loop3A_759, %parallel_loop3A_797 : vector<16xf32>
      %parallel_loop3A_823 = arith.select %parallel_loop3A_822, %parallel_loop3A_761, %parallel_loop3A_799 : vector<16xi1>, vector<16xf32>
      %parallel_loop3A_824 = arith.cmpf oeq, %parallel_loop3A_763, %parallel_loop3A_797 : vector<16xf32>
      %parallel_loop3A_825 = arith.select %parallel_loop3A_824, %parallel_loop3A_765, %parallel_loop3A_799 : vector<16xi1>, vector<16xf32>
      %parallel_loop3A_826 = arith.cmpf oeq, %parallel_loop3A_767, %parallel_loop3A_797 : vector<16xf32>
      %parallel_loop3A_827 = arith.select %parallel_loop3A_826, %parallel_loop3A_769, %parallel_loop3A_799 : vector<16xi1>, vector<16xf32>
      %parallel_loop3A_828 = arith.cmpf oeq, %parallel_loop3A_771, %parallel_loop3A_797 : vector<16xf32>
      %parallel_loop3A_829 = arith.select %parallel_loop3A_828, %parallel_loop3A_773, %parallel_loop3A_799 : vector<16xi1>, vector<16xf32>
      %parallel_loop3A_830 = arith.cmpf oeq, %parallel_loop3A_775, %parallel_loop3A_797 : vector<16xf32>
      %parallel_loop3A_831 = arith.select %parallel_loop3A_830, %parallel_loop3A_777, %parallel_loop3A_799 : vector<16xi1>, vector<16xf32>
      %parallel_loop3A_832 = arith.cmpf oeq, %parallel_loop3A_779, %parallel_loop3A_797 : vector<16xf32>
      %parallel_loop3A_833 = arith.select %parallel_loop3A_832, %parallel_loop3A_781, %parallel_loop3A_799 : vector<16xi1>, vector<16xf32>
      %parallel_loop3A_834 = arith.minimumf %parallel_loop3A_801, %parallel_loop3A_803 : vector<16xf32>
      %parallel_loop3A_835 = arith.minimumf %parallel_loop3A_805, %parallel_loop3A_807 : vector<16xf32>
      %parallel_loop3A_836 = arith.minimumf %parallel_loop3A_809, %parallel_loop3A_811 : vector<16xf32>
      %parallel_loop3A_837 = arith.minimumf %parallel_loop3A_813, %parallel_loop3A_815 : vector<16xf32>
      %parallel_loop3A_838 = arith.minimumf %parallel_loop3A_817, %parallel_loop3A_819 : vector<16xf32>
      %parallel_loop3A_839 = arith.minimumf %parallel_loop3A_821, %parallel_loop3A_823 : vector<16xf32>
      %parallel_loop3A_840 = arith.minimumf %parallel_loop3A_825, %parallel_loop3A_827 : vector<16xf32>
      %parallel_loop3A_841 = arith.minimumf %parallel_loop3A_829, %parallel_loop3A_831 : vector<16xf32>
      %parallel_loop3A_842 = arith.minimumf %parallel_loop3A_834, %parallel_loop3A_835 : vector<16xf32>
      %parallel_loop3A_843 = arith.minimumf %parallel_loop3A_836, %parallel_loop3A_837 : vector<16xf32>
      %parallel_loop3A_844 = arith.minimumf %parallel_loop3A_838, %parallel_loop3A_839 : vector<16xf32>
      %parallel_loop3A_845 = arith.minimumf %parallel_loop3A_840, %parallel_loop3A_841 : vector<16xf32>
      %parallel_loop3A_846 = arith.minimumf %parallel_loop3A_842, %parallel_loop3A_843 : vector<16xf32>
      %parallel_loop3A_847 = arith.minimumf %parallel_loop3A_844, %parallel_loop3A_845 : vector<16xf32>
      %parallel_loop3A_848 = arith.minimumf %parallel_loop3A_846, %parallel_loop3A_847 : vector<16xf32>
      %parallel_loop3A_849 = arith.minimumf %parallel_loop3A_848, %parallel_loop3A_833 : vector<16xf32>
      %parallel_loop3A_850 = arith.fptosi %parallel_loop3A_849 : vector<16xf32> to vector<16xi32>
      %parallel_loop3A_851 = arith.constant 3280 : i32
      %parallel_loop3A_852 = vector.broadcast %parallel_loop3A_851 : i32 to vector<16xi32>
      %parallel_loop3A_853 = arith.addi %parallel_loop3A_850, %parallel_loop3A_852 : vector<16xi32>
      %parallel_loop3A_854 = tpu.vector_load_idx %arg7[%parallel_loop3A_853] : memref<6568xi32, #tpu.memory_space<vmem>>[vector<16xi32>], vector<16xi32>,
      %parallel_loop3A_855 = arith.constant 0 : i32
      %parallel_loop3A_856 = vector.broadcast %parallel_loop3A_855 : i32 to vector<16xi32>
      %parallel_loop3A_857 = arith.addi %parallel_loop3A_854, %parallel_loop3A_856 : vector<16xi32>
      %parallel_loop3A_858 = tpu.vector_load_idx %arg5[%parallel_loop3A_857] : memref<80xf32, #tpu.memory_space<vmem>>[vector<16xi32>], vector<16xf32>,
      %parallel_loop3A_859 = arith.mulf %parallel_loop3A_858, %parallel_loop3A_634 : vector<16xf32>
      %parallel_loop3A_860 = arith.constant 0 : i32
      %parallel_loop3A_861 = arith.addi %parallel_loop3A_576, %parallel_loop3A_860 : i32
      %parallel_loop3A_862 = arith.index_cast %parallel_loop3A_861 : i32 to index
      %parallel_loop3A_863 = tpu.vector_load %arg6[%parallel_loop3A_862] {strides = array<i32>} : memref<32768xf32, #tpu.memory_space<vmem>>, vector<16xf32>,
      tpu.vector_store %arg6[%parallel_loop3A_862], %parallel_loop3A_859 {strides = array<i32>} : memref<32768xf32, #tpu.memory_space<vmem>>, vector<16xf32>,
      %parallel_loop3A_864 = arith.constant 1 : i32
      %parallel_loop3A_865 = vector.broadcast %parallel_loop3A_864 : i32 to vector<16xi32>
      %parallel_loop3A_866 = arith.addi %parallel_loop3A_854, %parallel_loop3A_865 : vector<16xi32>
      %parallel_loop3A_867 = tpu.vector_load_idx %arg5[%parallel_loop3A_866] : memref<80xf32, #tpu.memory_space<vmem>>[vector<16xi32>], vector<16xf32>,
      %parallel_loop3A_868 = arith.mulf %parallel_loop3A_867, %parallel_loop3A_638 : vector<16xf32>
      %parallel_loop3A_869 = arith.constant 128 : i32
      %parallel_loop3A_870 = arith.addi %parallel_loop3A_576, %parallel_loop3A_869 : i32
      %parallel_loop3A_871 = arith.index_cast %parallel_loop3A_870 : i32 to index
      %parallel_loop3A_872 = tpu.vector_load %arg6[%parallel_loop3A_871] {strides = array<i32>} : memref<32768xf32, #tpu.memory_space<vmem>>, vector<16xf32>,
      tpu.vector_store %arg6[%parallel_loop3A_871], %parallel_loop3A_868 {strides = array<i32>} : memref<32768xf32, #tpu.memory_space<vmem>>, vector<16xf32>,
      %parallel_loop3A_873 = arith.constant 2 : i32
      %parallel_loop3A_874 = vector.broadcast %parallel_loop3A_873 : i32 to vector<16xi32>
      %parallel_loop3A_875 = arith.addi %parallel_loop3A_854, %parallel_loop3A_874 : vector<16xi32>
      %parallel_loop3A_876 = tpu.vector_load_idx %arg5[%parallel_loop3A_875] : memref<80xf32, #tpu.memory_space<vmem>>[vector<16xi32>], vector<16xf32>,
      %parallel_loop3A_877 = arith.mulf %parallel_loop3A_876, %parallel_loop3A_642 : vector<16xf32>
      %parallel_loop3A_878 = arith.constant 256 : i32
      %parallel_loop3A_879 = arith.addi %parallel_loop3A_576, %parallel_loop3A_878 : i32
      %parallel_loop3A_880 = arith.index_cast %parallel_loop3A_879 : i32 to index
      %parallel_loop3A_881 = tpu.vector_load %arg6[%parallel_loop3A_880] {strides = array<i32>} : memref<32768xf32, #tpu.memory_space<vmem>>, vector<16xf32>,
      tpu.vector_store %arg6[%parallel_loop3A_880], %parallel_loop3A_877 {strides = array<i32>} : memref<32768xf32, #tpu.memory_space<vmem>>, vector<16xf32>,
      %parallel_loop3A_882 = arith.constant 3 : i32
      %parallel_loop3A_883 = vector.broadcast %parallel_loop3A_882 : i32 to vector<16xi32>
      %parallel_loop3A_884 = arith.addi %parallel_loop3A_854, %parallel_loop3A_883 : vector<16xi32>
      %parallel_loop3A_885 = tpu.vector_load_idx %arg5[%parallel_loop3A_884] : memref<80xf32, #tpu.memory_space<vmem>>[vector<16xi32>], vector<16xf32>,
      %parallel_loop3A_886 = arith.mulf %parallel_loop3A_885, %parallel_loop3A_646 : vector<16xf32>
      %parallel_loop3A_887 = arith.constant 384 : i32
      %parallel_loop3A_888 = arith.addi %parallel_loop3A_576, %parallel_loop3A_887 : i32
      %parallel_loop3A_889 = arith.index_cast %parallel_loop3A_888 : i32 to index
      %parallel_loop3A_890 = tpu.vector_load %arg6[%parallel_loop3A_889] {strides = array<i32>} : memref<32768xf32, #tpu.memory_space<vmem>>, vector<16xf32>,
      tpu.vector_store %arg6[%parallel_loop3A_889], %parallel_loop3A_886 {strides = array<i32>} : memref<32768xf32, #tpu.memory_space<vmem>>, vector<16xf32>,
    } {sc.loop_unroll_factor = 1 : i64, sc.parallel_access}
    %dma_start3A_544 = arith.constant 0 : i32
    %dma_start3A_545 = tpu.memref_slice %arg6[%dma_start3A_544] : memref<32768xf32, #tpu.memory_space<vmem>> -> memref<16384xf32, #tpu.memory_space<vmem>>
    %dma_start3A_546 = tpu.memref_slice %arg3[%mul3A_2] : memref<1048576xf32, #tpu.memory_space<hbm>> -> memref<16384xf32, #tpu.memory_space<hbm>>
    %dma_start3A_547 = tpu.memref_slice %arg3[%mul3A_2] : memref<1048576xf32, #tpu.memory_space<hbm>> -> memref<16384xf32, #tpu.memory_space<hbm>>
    %dma_start3A_548 = arith.constant 0 : i32
    %dma_start3A_549 = tpu.memref_slice %arg6[%dma_start3A_548] : memref<32768xf32, #tpu.memory_space<vmem>> -> memref<16384xf32, #tpu.memory_space<vmem>>
    tpu.enqueue_dma source(%dma_start3A_549 : memref<16384xf32, #tpu.memory_space<vmem>>) target(%dma_start3A_547 : memref<16384xf32, #tpu.memory_space<hbm>>) target_semaphore(%arg10 : memref<!tpu.dma_semaphore, #tpu.memory_space<semaphore_mem>>)
    %dma_wait3A_550 = arith.constant 16384 : i32
    %dma_wait3A_551 = tpu.memref_slice %arg4[%dma_wait3A_550] : memref<32768xf32, #tpu.memory_space<vmem>> -> memref<16384xf32, #tpu.memory_space<vmem>>
    %dma_wait3A_552 = tpu.memref_slice %arg2[%add3A_9] : memref<1048576xf32, #tpu.memory_space<hbm>> -> memref<16384xf32, #tpu.memory_space<hbm>>
    %dma_wait3A_553 = arith.constant 16384 : i32
    %dma_wait3A_554 = tpu.memref_slice %arg4[%dma_wait3A_553] : memref<32768xf32, #tpu.memory_space<vmem>> -> memref<16384xf32, #tpu.memory_space<vmem>>
    %dma_wait3A_555 = tpu.memref_slice %arg2[%add3A_9] : memref<1048576xf32, #tpu.memory_space<hbm>> -> memref<16384xf32, #tpu.memory_space<hbm>>
    tpu.wait_dma2 semaphore(%arg9 : memref<!tpu.dma_semaphore, #tpu.memory_space<semaphore_mem>>) src(%dma_wait3A_555 : memref<16384xf32, #tpu.memory_space<hbm>>) dst(%dma_wait3A_554 : memref<16384xf32, #tpu.memory_space<vmem>>)
    %parallel_loop3A_556 = arith.constant 256 : i32
    %parallel_loop3A_557 = arith.constant 512 : i32
    %parallel_loop3A_558 = arith.constant 1 : i32
    scf.for %parallel_loop3A_567 = %parallel_loop3A_556 to %parallel_loop3A_557 step %parallel_loop3A_558  : i32 {
      %parallel_loop3A_568 = arith.constant 3 : i32
      %parallel_loop3A_569 = arith.shrsi %parallel_loop3A_567, %parallel_loop3A_568 : i32
      %parallel_loop3A_570 = arith.constant 512 : i32
      %parallel_loop3A_571 = arith.muli %parallel_loop3A_569, %parallel_loop3A_570 : i32
      %parallel_loop3A_572 = arith.constant 7 : i32
      %parallel_loop3A_573 = arith.andi %parallel_loop3A_567, %parallel_loop3A_572 : i32
      %parallel_loop3A_574 = arith.constant 16 : i32
      %parallel_loop3A_575 = arith.muli %parallel_loop3A_573, %parallel_loop3A_574 : i32
      %parallel_loop3A_576 = arith.addi %parallel_loop3A_571, %parallel_loop3A_575 : i32
      %parallel_loop3A_577 = arith.constant 0 : i32
      %parallel_loop3A_578 = arith.addi %parallel_loop3A_576, %parallel_loop3A_577 : i32
      %parallel_loop3A_579 = arith.index_cast %parallel_loop3A_578 : i32 to index
      %parallel_loop3A_580 = tpu.vector_load %arg4[%parallel_loop3A_579] {strides = array<i32>} : memref<32768xf32, #tpu.memory_space<vmem>>, vector<16xf32>,
      %parallel_loop3A_581 = arith.constant 128 : i32
      %parallel_loop3A_582 = arith.addi %parallel_loop3A_576, %parallel_loop3A_581 : i32
      %parallel_loop3A_583 = arith.index_cast %parallel_loop3A_582 : i32 to index
      %parallel_loop3A_584 = tpu.vector_load %arg4[%parallel_loop3A_583] {strides = array<i32>} : memref<32768xf32, #tpu.memory_space<vmem>>, vector<16xf32>,
      %parallel_loop3A_585 = arith.constant 256 : i32
      %parallel_loop3A_586 = arith.addi %parallel_loop3A_576, %parallel_loop3A_585 : i32
      %parallel_loop3A_587 = arith.index_cast %parallel_loop3A_586 : i32 to index
      %parallel_loop3A_588 = tpu.vector_load %arg4[%parallel_loop3A_587] {strides = array<i32>} : memref<32768xf32, #tpu.memory_space<vmem>>, vector<16xf32>,
      %parallel_loop3A_589 = arith.constant 384 : i32
      %parallel_loop3A_590 = arith.addi %parallel_loop3A_576, %parallel_loop3A_589 : i32
      %parallel_loop3A_591 = arith.index_cast %parallel_loop3A_590 : i32 to index
      %parallel_loop3A_592 = tpu.vector_load %arg4[%parallel_loop3A_591] {strides = array<i32>} : memref<32768xf32, #tpu.memory_space<vmem>>, vector<16xf32>,
      %parallel_loop3A_593 = arith.constant 6.553700e+04 : f32
      %parallel_loop3A_594 = vector.broadcast %parallel_loop3A_593 : f32 to vector<16xf32>
      %parallel_loop3A_595 = arith.mulf %parallel_loop3A_580, %parallel_loop3A_594 : vector<16xf32>
      %parallel_loop3A_596 = arith.subf %parallel_loop3A_580, %parallel_loop3A_595 : vector<16xf32>
      %parallel_loop3A_597 = arith.addf %parallel_loop3A_595, %parallel_loop3A_596 : vector<16xf32>
      %parallel_loop3A_598 = arith.constant 6.553700e+04 : f32
      %parallel_loop3A_599 = vector.broadcast %parallel_loop3A_598 : f32 to vector<16xf32>
      %parallel_loop3A_600 = arith.mulf %parallel_loop3A_584, %parallel_loop3A_599 : vector<16xf32>
      %parallel_loop3A_601 = arith.subf %parallel_loop3A_584, %parallel_loop3A_600 : vector<16xf32>
      %parallel_loop3A_602 = arith.addf %parallel_loop3A_600, %parallel_loop3A_601 : vector<16xf32>
      %parallel_loop3A_603 = arith.constant 6.553700e+04 : f32
      %parallel_loop3A_604 = vector.broadcast %parallel_loop3A_603 : f32 to vector<16xf32>
      %parallel_loop3A_605 = arith.mulf %parallel_loop3A_588, %parallel_loop3A_604 : vector<16xf32>
      %parallel_loop3A_606 = arith.subf %parallel_loop3A_588, %parallel_loop3A_605 : vector<16xf32>
      %parallel_loop3A_607 = arith.addf %parallel_loop3A_605, %parallel_loop3A_606 : vector<16xf32>
      %parallel_loop3A_608 = arith.constant 6.553700e+04 : f32
      %parallel_loop3A_609 = vector.broadcast %parallel_loop3A_608 : f32 to vector<16xf32>
      %parallel_loop3A_610 = arith.mulf %parallel_loop3A_592, %parallel_loop3A_609 : vector<16xf32>
      %parallel_loop3A_611 = arith.subf %parallel_loop3A_592, %parallel_loop3A_610 : vector<16xf32>
      %parallel_loop3A_612 = arith.addf %parallel_loop3A_610, %parallel_loop3A_611 : vector<16xf32>
      %parallel_loop3A_613 = math.absf %parallel_loop3A_597 : vector<16xf32>
      %parallel_loop3A_614 = math.absf %parallel_loop3A_602 : vector<16xf32>
      %parallel_loop3A_615 = math.absf %parallel_loop3A_607 : vector<16xf32>
      %parallel_loop3A_616 = math.absf %parallel_loop3A_612 : vector<16xf32>
      %parallel_loop3A_617 = arith.constant 0.000000e+00 : f32
      %parallel_loop3A_618 = vector.broadcast %parallel_loop3A_617 : f32 to vector<16xf32>
      %parallel_loop3A_619 = arith.cmpf olt, %parallel_loop3A_597, %parallel_loop3A_618 : vector<16xf32>
      %parallel_loop3A_620 = arith.constant 0.000000e+00 : f32
      %parallel_loop3A_621 = vector.broadcast %parallel_loop3A_620 : f32 to vector<16xf32>
      %parallel_loop3A_622 = arith.cmpf olt, %parallel_loop3A_602, %parallel_loop3A_621 : vector<16xf32>
      %parallel_loop3A_623 = arith.constant 0.000000e+00 : f32
      %parallel_loop3A_624 = vector.broadcast %parallel_loop3A_623 : f32 to vector<16xf32>
      %parallel_loop3A_625 = arith.cmpf olt, %parallel_loop3A_607, %parallel_loop3A_624 : vector<16xf32>
      %parallel_loop3A_626 = arith.constant 0.000000e+00 : f32
      %parallel_loop3A_627 = vector.broadcast %parallel_loop3A_626 : f32 to vector<16xf32>
      %parallel_loop3A_628 = arith.cmpf olt, %parallel_loop3A_612, %parallel_loop3A_627 : vector<16xf32>
      %parallel_loop3A_629 = arith.constant 1.000000e+00 : f32
      %parallel_loop3A_630 = vector.broadcast %parallel_loop3A_629 : f32 to vector<16xf32>
      %parallel_loop3A_631 = arith.constant 0.000000e+00 : f32
      %parallel_loop3A_632 = vector.broadcast %parallel_loop3A_631 : f32 to vector<16xf32>
      %parallel_loop3A_633 = arith.subf %parallel_loop3A_632, %parallel_loop3A_630 : vector<16xf32>
      %parallel_loop3A_634 = arith.select %parallel_loop3A_619, %parallel_loop3A_633, %parallel_loop3A_630 : vector<16xi1>, vector<16xf32>
      %parallel_loop3A_635 = arith.constant 0.000000e+00 : f32
      %parallel_loop3A_636 = vector.broadcast %parallel_loop3A_635 : f32 to vector<16xf32>
      %parallel_loop3A_637 = arith.subf %parallel_loop3A_636, %parallel_loop3A_630 : vector<16xf32>
      %parallel_loop3A_638 = arith.select %parallel_loop3A_622, %parallel_loop3A_637, %parallel_loop3A_630 : vector<16xi1>, vector<16xf32>
      %parallel_loop3A_639 = arith.constant 0.000000e+00 : f32
      %parallel_loop3A_640 = vector.broadcast %parallel_loop3A_639 : f32 to vector<16xf32>
      %parallel_loop3A_641 = arith.subf %parallel_loop3A_640, %parallel_loop3A_630 : vector<16xf32>
      %parallel_loop3A_642 = arith.select %parallel_loop3A_625, %parallel_loop3A_641, %parallel_loop3A_630 : vector<16xi1>, vector<16xf32>
      %parallel_loop3A_643 = arith.constant 0.000000e+00 : f32
      %parallel_loop3A_644 = vector.broadcast %parallel_loop3A_643 : f32 to vector<16xf32>
      %parallel_loop3A_645 = arith.subf %parallel_loop3A_644, %parallel_loop3A_630 : vector<16xf32>
      %parallel_loop3A_646 = arith.select %parallel_loop3A_628, %parallel_loop3A_645, %parallel_loop3A_630 : vector<16xi1>, vector<16xf32>
      %parallel_loop3A_647 = arith.constant 7.290000e+02 : f32
      %parallel_loop3A_648 = vector.broadcast %parallel_loop3A_647 : f32 to vector<16xf32>
      %parallel_loop3A_649 = arith.mulf %parallel_loop3A_634, %parallel_loop3A_648 : vector<16xf32>
      %parallel_loop3A_650 = arith.constant 8.100000e+01 : f32
      %parallel_loop3A_651 = vector.broadcast %parallel_loop3A_650 : f32 to vector<16xf32>
      %parallel_loop3A_652 = arith.mulf %parallel_loop3A_638, %parallel_loop3A_651 : vector<16xf32>
      %parallel_loop3A_653 = arith.constant 9.000000e+00 : f32
      %parallel_loop3A_654 = vector.broadcast %parallel_loop3A_653 : f32 to vector<16xf32>
      %parallel_loop3A_655 = arith.mulf %parallel_loop3A_642, %parallel_loop3A_654 : vector<16xf32>
      %parallel_loop3A_656 = arith.constant 2.000000e+00 : f32
      %parallel_loop3A_657 = vector.broadcast %parallel_loop3A_656 : f32 to vector<16xf32>
      %parallel_loop3A_658 = arith.mulf %parallel_loop3A_649, %parallel_loop3A_657 : vector<16xf32>
      %parallel_loop3A_659 = arith.constant 2.000000e+00 : f32
      %parallel_loop3A_660 = vector.broadcast %parallel_loop3A_659 : f32 to vector<16xf32>
      %parallel_loop3A_661 = arith.mulf %parallel_loop3A_652, %parallel_loop3A_660 : vector<16xf32>
      %parallel_loop3A_662 = arith.constant 2.000000e+00 : f32
      %parallel_loop3A_663 = vector.broadcast %parallel_loop3A_662 : f32 to vector<16xf32>
      %parallel_loop3A_664 = arith.mulf %parallel_loop3A_655, %parallel_loop3A_663 : vector<16xf32>
      %parallel_loop3A_665 = arith.constant 2.000000e+00 : f32
      %parallel_loop3A_666 = vector.broadcast %parallel_loop3A_665 : f32 to vector<16xf32>
      %parallel_loop3A_667 = arith.mulf %parallel_loop3A_646, %parallel_loop3A_666 : vector<16xf32>
      %parallel_loop3A_668 = arith.constant 3.000000e+00 : f32
      %parallel_loop3A_669 = vector.broadcast %parallel_loop3A_668 : f32 to vector<16xf32>
      %parallel_loop3A_670 = arith.mulf %parallel_loop3A_649, %parallel_loop3A_669 : vector<16xf32>
      %parallel_loop3A_671 = arith.constant 3.000000e+00 : f32
      %parallel_loop3A_672 = vector.broadcast %parallel_loop3A_671 : f32 to vector<16xf32>
      %parallel_loop3A_673 = arith.mulf %parallel_loop3A_652, %parallel_loop3A_672 : vector<16xf32>
      %parallel_loop3A_674 = arith.constant 3.000000e+00 : f32
      %parallel_loop3A_675 = vector.broadcast %parallel_loop3A_674 : f32 to vector<16xf32>
      %parallel_loop3A_676 = arith.mulf %parallel_loop3A_655, %parallel_loop3A_675 : vector<16xf32>
      %parallel_loop3A_677 = arith.constant 3.000000e+00 : f32
      %parallel_loop3A_678 = vector.broadcast %parallel_loop3A_677 : f32 to vector<16xf32>
      %parallel_loop3A_679 = arith.mulf %parallel_loop3A_646, %parallel_loop3A_678 : vector<16xf32>
      %parallel_loop3A_680 = arith.constant 4.000000e+00 : f32
      %parallel_loop3A_681 = vector.broadcast %parallel_loop3A_680 : f32 to vector<16xf32>
      %parallel_loop3A_682 = arith.mulf %parallel_loop3A_649, %parallel_loop3A_681 : vector<16xf32>
      %parallel_loop3A_683 = arith.constant 4.000000e+00 : f32
      %parallel_loop3A_684 = vector.broadcast %parallel_loop3A_683 : f32 to vector<16xf32>
      %parallel_loop3A_685 = arith.mulf %parallel_loop3A_652, %parallel_loop3A_684 : vector<16xf32>
      %parallel_loop3A_686 = arith.constant 4.000000e+00 : f32
      %parallel_loop3A_687 = vector.broadcast %parallel_loop3A_686 : f32 to vector<16xf32>
      %parallel_loop3A_688 = arith.mulf %parallel_loop3A_655, %parallel_loop3A_687 : vector<16xf32>
      %parallel_loop3A_689 = arith.constant 4.000000e+00 : f32
      %parallel_loop3A_690 = vector.broadcast %parallel_loop3A_689 : f32 to vector<16xf32>
      %parallel_loop3A_691 = arith.mulf %parallel_loop3A_646, %parallel_loop3A_690 : vector<16xf32>
      %parallel_loop3A_692 = arith.constant 0.80859375 : f32
      %parallel_loop3A_693 = vector.broadcast %parallel_loop3A_692 : f32 to vector<16xf32>
      %parallel_loop3A_694 = arith.mulf %parallel_loop3A_693, %parallel_loop3A_613 : vector<16xf32>
      %parallel_loop3A_695 = arith.constant 0.80859375 : f32
      %parallel_loop3A_696 = vector.broadcast %parallel_loop3A_695 : f32 to vector<16xf32>
      %parallel_loop3A_697 = arith.mulf %parallel_loop3A_696, %parallel_loop3A_614 : vector<16xf32>
      %parallel_loop3A_698 = arith.constant 0.80859375 : f32
      %parallel_loop3A_699 = vector.broadcast %parallel_loop3A_698 : f32 to vector<16xf32>
      %parallel_loop3A_700 = arith.mulf %parallel_loop3A_699, %parallel_loop3A_615 : vector<16xf32>
      %parallel_loop3A_701 = arith.constant 0.80859375 : f32
      %parallel_loop3A_702 = vector.broadcast %parallel_loop3A_701 : f32 to vector<16xf32>
      %parallel_loop3A_703 = arith.mulf %parallel_loop3A_702, %parallel_loop3A_616 : vector<16xf32>
      %parallel_loop3A_704 = arith.constant 5.000000e-01 : f32
      %parallel_loop3A_705 = vector.broadcast %parallel_loop3A_704 : f32 to vector<16xf32>
      %parallel_loop3A_706 = arith.mulf %parallel_loop3A_705, %parallel_loop3A_613 : vector<16xf32>
      %parallel_loop3A_707 = arith.constant 5.000000e-01 : f32
      %parallel_loop3A_708 = vector.broadcast %parallel_loop3A_707 : f32 to vector<16xf32>
      %parallel_loop3A_709 = arith.mulf %parallel_loop3A_708, %parallel_loop3A_614 : vector<16xf32>
      %parallel_loop3A_710 = arith.constant 5.000000e-01 : f32
      %parallel_loop3A_711 = vector.broadcast %parallel_loop3A_710 : f32 to vector<16xf32>
      %parallel_loop3A_712 = arith.mulf %parallel_loop3A_711, %parallel_loop3A_615 : vector<16xf32>
      %parallel_loop3A_713 = arith.constant 5.000000e-01 : f32
      %parallel_loop3A_714 = vector.broadcast %parallel_loop3A_713 : f32 to vector<16xf32>
      %parallel_loop3A_715 = arith.mulf %parallel_loop3A_714, %parallel_loop3A_616 : vector<16xf32>
      %parallel_loop3A_716 = arith.constant 0.30859375 : f32
      %parallel_loop3A_717 = vector.broadcast %parallel_loop3A_716 : f32 to vector<16xf32>
      %parallel_loop3A_718 = arith.mulf %parallel_loop3A_717, %parallel_loop3A_613 : vector<16xf32>
      %parallel_loop3A_719 = arith.constant 0.30859375 : f32
      %parallel_loop3A_720 = vector.broadcast %parallel_loop3A_719 : f32 to vector<16xf32>
      %parallel_loop3A_721 = arith.mulf %parallel_loop3A_720, %parallel_loop3A_614 : vector<16xf32>
      %parallel_loop3A_722 = arith.constant 0.30859375 : f32
      %parallel_loop3A_723 = vector.broadcast %parallel_loop3A_722 : f32 to vector<16xf32>
      %parallel_loop3A_724 = arith.mulf %parallel_loop3A_723, %parallel_loop3A_615 : vector<16xf32>
      %parallel_loop3A_725 = arith.constant 0.30859375 : f32
      %parallel_loop3A_726 = vector.broadcast %parallel_loop3A_725 : f32 to vector<16xf32>
      %parallel_loop3A_727 = arith.mulf %parallel_loop3A_726, %parallel_loop3A_616 : vector<16xf32>
      %parallel_loop3A_728 = arith.addf %parallel_loop3A_706, %parallel_loop3A_709 : vector<16xf32>
      %parallel_loop3A_729 = arith.addf %parallel_loop3A_728, %parallel_loop3A_712 : vector<16xf32>
      %parallel_loop3A_730 = arith.addf %parallel_loop3A_729, %parallel_loop3A_715 : vector<16xf32>
      %parallel_loop3A_731 = arith.addf %parallel_loop3A_658, %parallel_loop3A_661 : vector<16xf32>
      %parallel_loop3A_732 = arith.addf %parallel_loop3A_731, %parallel_loop3A_664 : vector<16xf32>
      %parallel_loop3A_733 = arith.addf %parallel_loop3A_732, %parallel_loop3A_667 : vector<16xf32>
      %parallel_loop3A_734 = arith.addf %parallel_loop3A_694, %parallel_loop3A_709 : vector<16xf32>
      %parallel_loop3A_735 = arith.addf %parallel_loop3A_734, %parallel_loop3A_724 : vector<16xf32>
      %parallel_loop3A_736 = arith.addf %parallel_loop3A_670, %parallel_loop3A_661 : vector<16xf32>
      %parallel_loop3A_737 = arith.addf %parallel_loop3A_736, %parallel_loop3A_655 : vector<16xf32>
      %parallel_loop3A_738 = arith.addf %parallel_loop3A_694, %parallel_loop3A_721 : vector<16xf32>
      %parallel_loop3A_739 = arith.addf %parallel_loop3A_738, %parallel_loop3A_715 : vector<16xf32>
      %parallel_loop3A_740 = arith.addf %parallel_loop3A_670, %parallel_loop3A_652 : vector<16xf32>
      %parallel_loop3A_741 = arith.addf %parallel_loop3A_740, %parallel_loop3A_667 : vector<16xf32>
      %parallel_loop3A_742 = arith.addf %parallel_loop3A_694, %parallel_loop3A_712 : vector<16xf32>
      %parallel_loop3A_743 = arith.addf %parallel_loop3A_742, %parallel_loop3A_727 : vector<16xf32>
      %parallel_loop3A_744 = arith.addf %parallel_loop3A_670, %parallel_loop3A_664 : vector<16xf32>
      %parallel_loop3A_745 = arith.addf %parallel_loop3A_744, %parallel_loop3A_646 : vector<16xf32>
      %parallel_loop3A_746 = arith.addf %parallel_loop3A_706, %parallel_loop3A_697 : vector<16xf32>
      %parallel_loop3A_747 = arith.addf %parallel_loop3A_746, %parallel_loop3A_727 : vector<16xf32>
      %parallel_loop3A_748 = arith.addf %parallel_loop3A_658, %parallel_loop3A_673 : vector<16xf32>
      %parallel_loop3A_749 = arith.addf %parallel_loop3A_748, %parallel_loop3A_646 : vector<16xf32>
      %parallel_loop3A_750 = arith.addf %parallel_loop3A_706, %parallel_loop3A_721 : vector<16xf32>
      %parallel_loop3A_751 = arith.addf %parallel_loop3A_750, %parallel_loop3A_700 : vector<16xf32>
      %parallel_loop3A_752 = arith.addf %parallel_loop3A_658, %parallel_loop3A_652 : vector<16xf32>
      %parallel_loop3A_753 = arith.addf %parallel_loop3A_752, %parallel_loop3A_676 : vector<16xf32>
      %parallel_loop3A_754 = arith.addf %parallel_loop3A_706, %parallel_loop3A_724 : vector<16xf32>
      %parallel_loop3A_755 = arith.addf %parallel_loop3A_754, %parallel_loop3A_703 : vector<16xf32>
      %parallel_loop3A_756 = arith.addf %parallel_loop3A_658, %parallel_loop3A_655 : vector<16xf32>
      %parallel_loop3A_757 = arith.addf %parallel_loop3A_756, %parallel_loop3A_679 : vector<16xf32>
      %parallel_loop3A_758 = arith.addf %parallel_loop3A_718, %parallel_loop3A_697 : vector<16xf32>
      %parallel_loop3A_759 = arith.addf %parallel_loop3A_758, %parallel_loop3A_712 : vector<16xf32>
      %parallel_loop3A_760 = arith.addf %parallel_loop3A_649, %parallel_loop3A_673 : vector<16xf32>
      %parallel_loop3A_761 = arith.addf %parallel_loop3A_760, %parallel_loop3A_664 : vector<16xf32>
      %parallel_loop3A_762 = arith.addf %parallel_loop3A_718, %parallel_loop3A_709 : vector<16xf32>
      %parallel_loop3A_763 = arith.addf %parallel_loop3A_762, %parallel_loop3A_703 : vector<16xf32>
      %parallel_loop3A_764 = arith.addf %parallel_loop3A_649, %parallel_loop3A_661 : vector<16xf32>
      %parallel_loop3A_765 = arith.addf %parallel_loop3A_764, %parallel_loop3A_679 : vector<16xf32>
      %parallel_loop3A_766 = arith.addf %parallel_loop3A_718, %parallel_loop3A_700 : vector<16xf32>
      %parallel_loop3A_767 = arith.addf %parallel_loop3A_766, %parallel_loop3A_715 : vector<16xf32>
      %parallel_loop3A_768 = arith.addf %parallel_loop3A_649, %parallel_loop3A_676 : vector<16xf32>
      %parallel_loop3A_769 = arith.addf %parallel_loop3A_768, %parallel_loop3A_667 : vector<16xf32>
      %parallel_loop3A_770 = arith.addf %parallel_loop3A_697, %parallel_loop3A_724 : vector<16xf32>
      %parallel_loop3A_771 = arith.addf %parallel_loop3A_770, %parallel_loop3A_715 : vector<16xf32>
      %parallel_loop3A_772 = arith.addf %parallel_loop3A_673, %parallel_loop3A_655 : vector<16xf32>
      %parallel_loop3A_773 = arith.addf %parallel_loop3A_772, %parallel_loop3A_667 : vector<16xf32>
      %parallel_loop3A_774 = arith.addf %parallel_loop3A_709, %parallel_loop3A_700 : vector<16xf32>
      %parallel_loop3A_775 = arith.addf %parallel_loop3A_774, %parallel_loop3A_727 : vector<16xf32>
      %parallel_loop3A_776 = arith.addf %parallel_loop3A_661, %parallel_loop3A_676 : vector<16xf32>
      %parallel_loop3A_777 = arith.addf %parallel_loop3A_776, %parallel_loop3A_646 : vector<16xf32>
      %parallel_loop3A_778 = arith.addf %parallel_loop3A_721, %parallel_loop3A_712 : vector<16xf32>
      %parallel_loop3A_779 = arith.addf %parallel_loop3A_778, %parallel_loop3A_703 : vector<16xf32>
      %parallel_loop3A_780 = arith.addf %parallel_loop3A_652, %parallel_loop3A_664 : vector<16xf32>
      %parallel_loop3A_781 = arith.addf %parallel_loop3A_780, %parallel_loop3A_679 : vector<16xf32>
      %parallel_loop3A_782 = arith.maximumf %parallel_loop3A_613, %parallel_loop3A_614 : vector<16xf32>
      %parallel_loop3A_783 = arith.maximumf %parallel_loop3A_615, %parallel_loop3A_616 : vector<16xf32>
      %parallel_loop3A_784 = arith.maximumf %parallel_loop3A_730, %parallel_loop3A_735 : vector<16xf32>
      %parallel_loop3A_785 = arith.maximumf %parallel_loop3A_739, %parallel_loop3A_743 : vector<16xf32>
      %parallel_loop3A_786 = arith.maximumf %parallel_loop3A_747, %parallel_loop3A_751 : vector<16xf32>
      %parallel_loop3A_787 = arith.maximumf %parallel_loop3A_755, %parallel_loop3A_759 : vector<16xf32>
      %parallel_loop3A_788 = arith.maximumf %parallel_loop3A_763, %parallel_loop3A_767 : vector<16xf32>
      %parallel_loop3A_789 = arith.maximumf %parallel_loop3A_771, %parallel_loop3A_775 : vector<16xf32>
      %parallel_loop3A_790 = arith.maximumf %parallel_loop3A_782, %parallel_loop3A_783 : vector<16xf32>
      %parallel_loop3A_791 = arith.maximumf %parallel_loop3A_784, %parallel_loop3A_785 : vector<16xf32>
      %parallel_loop3A_792 = arith.maximumf %parallel_loop3A_786, %parallel_loop3A_787 : vector<16xf32>
      %parallel_loop3A_793 = arith.maximumf %parallel_loop3A_788, %parallel_loop3A_789 : vector<16xf32>
      %parallel_loop3A_794 = arith.maximumf %parallel_loop3A_790, %parallel_loop3A_791 : vector<16xf32>
      %parallel_loop3A_795 = arith.maximumf %parallel_loop3A_792, %parallel_loop3A_793 : vector<16xf32>
      %parallel_loop3A_796 = arith.maximumf %parallel_loop3A_794, %parallel_loop3A_795 : vector<16xf32>
      %parallel_loop3A_797 = arith.maximumf %parallel_loop3A_796, %parallel_loop3A_779 : vector<16xf32>
      %parallel_loop3A_798 = arith.constant 1.000000e+09 : f32
      %parallel_loop3A_799 = vector.broadcast %parallel_loop3A_798 : f32 to vector<16xf32>
      %parallel_loop3A_800 = arith.cmpf oeq, %parallel_loop3A_613, %parallel_loop3A_797 : vector<16xf32>
      %parallel_loop3A_801 = arith.select %parallel_loop3A_800, %parallel_loop3A_682, %parallel_loop3A_799 : vector<16xi1>, vector<16xf32>
      %parallel_loop3A_802 = arith.cmpf oeq, %parallel_loop3A_614, %parallel_loop3A_797 : vector<16xf32>
      %parallel_loop3A_803 = arith.select %parallel_loop3A_802, %parallel_loop3A_685, %parallel_loop3A_799 : vector<16xi1>, vector<16xf32>
      %parallel_loop3A_804 = arith.cmpf oeq, %parallel_loop3A_615, %parallel_loop3A_797 : vector<16xf32>
      %parallel_loop3A_805 = arith.select %parallel_loop3A_804, %parallel_loop3A_688, %parallel_loop3A_799 : vector<16xi1>, vector<16xf32>
      %parallel_loop3A_806 = arith.cmpf oeq, %parallel_loop3A_616, %parallel_loop3A_797 : vector<16xf32>
      %parallel_loop3A_807 = arith.select %parallel_loop3A_806, %parallel_loop3A_691, %parallel_loop3A_799 : vector<16xi1>, vector<16xf32>
      %parallel_loop3A_808 = arith.cmpf oeq, %parallel_loop3A_730, %parallel_loop3A_797 : vector<16xf32>
      %parallel_loop3A_809 = arith.select %parallel_loop3A_808, %parallel_loop3A_733, %parallel_loop3A_799 : vector<16xi1>, vector<16xf32>
      %parallel_loop3A_810 = arith.cmpf oeq, %parallel_loop3A_735, %parallel_loop3A_797 : vector<16xf32>
      %parallel_loop3A_811 = arith.select %parallel_loop3A_810, %parallel_loop3A_737, %parallel_loop3A_799 : vector<16xi1>, vector<16xf32>
      %parallel_loop3A_812 = arith.cmpf oeq, %parallel_loop3A_739, %parallel_loop3A_797 : vector<16xf32>
      %parallel_loop3A_813 = arith.select %parallel_loop3A_812, %parallel_loop3A_741, %parallel_loop3A_799 : vector<16xi1>, vector<16xf32>
      %parallel_loop3A_814 = arith.cmpf oeq, %parallel_loop3A_743, %parallel_loop3A_797 : vector<16xf32>
      %parallel_loop3A_815 = arith.select %parallel_loop3A_814, %parallel_loop3A_745, %parallel_loop3A_799 : vector<16xi1>, vector<16xf32>
      %parallel_loop3A_816 = arith.cmpf oeq, %parallel_loop3A_747, %parallel_loop3A_797 : vector<16xf32>
      %parallel_loop3A_817 = arith.select %parallel_loop3A_816, %parallel_loop3A_749, %parallel_loop3A_799 : vector<16xi1>, vector<16xf32>
      %parallel_loop3A_818 = arith.cmpf oeq, %parallel_loop3A_751, %parallel_loop3A_797 : vector<16xf32>
      %parallel_loop3A_819 = arith.select %parallel_loop3A_818, %parallel_loop3A_753, %parallel_loop3A_799 : vector<16xi1>, vector<16xf32>
      %parallel_loop3A_820 = arith.cmpf oeq, %parallel_loop3A_755, %parallel_loop3A_797 : vector<16xf32>
      %parallel_loop3A_821 = arith.select %parallel_loop3A_820, %parallel_loop3A_757, %parallel_loop3A_799 : vector<16xi1>, vector<16xf32>
      %parallel_loop3A_822 = arith.cmpf oeq, %parallel_loop3A_759, %parallel_loop3A_797 : vector<16xf32>
      %parallel_loop3A_823 = arith.select %parallel_loop3A_822, %parallel_loop3A_761, %parallel_loop3A_799 : vector<16xi1>, vector<16xf32>
      %parallel_loop3A_824 = arith.cmpf oeq, %parallel_loop3A_763, %parallel_loop3A_797 : vector<16xf32>
      %parallel_loop3A_825 = arith.select %parallel_loop3A_824, %parallel_loop3A_765, %parallel_loop3A_799 : vector<16xi1>, vector<16xf32>
      %parallel_loop3A_826 = arith.cmpf oeq, %parallel_loop3A_767, %parallel_loop3A_797 : vector<16xf32>
      %parallel_loop3A_827 = arith.select %parallel_loop3A_826, %parallel_loop3A_769, %parallel_loop3A_799 : vector<16xi1>, vector<16xf32>
      %parallel_loop3A_828 = arith.cmpf oeq, %parallel_loop3A_771, %parallel_loop3A_797 : vector<16xf32>
      %parallel_loop3A_829 = arith.select %parallel_loop3A_828, %parallel_loop3A_773, %parallel_loop3A_799 : vector<16xi1>, vector<16xf32>
      %parallel_loop3A_830 = arith.cmpf oeq, %parallel_loop3A_775, %parallel_loop3A_797 : vector<16xf32>
      %parallel_loop3A_831 = arith.select %parallel_loop3A_830, %parallel_loop3A_777, %parallel_loop3A_799 : vector<16xi1>, vector<16xf32>
      %parallel_loop3A_832 = arith.cmpf oeq, %parallel_loop3A_779, %parallel_loop3A_797 : vector<16xf32>
      %parallel_loop3A_833 = arith.select %parallel_loop3A_832, %parallel_loop3A_781, %parallel_loop3A_799 : vector<16xi1>, vector<16xf32>
      %parallel_loop3A_834 = arith.minimumf %parallel_loop3A_801, %parallel_loop3A_803 : vector<16xf32>
      %parallel_loop3A_835 = arith.minimumf %parallel_loop3A_805, %parallel_loop3A_807 : vector<16xf32>
      %parallel_loop3A_836 = arith.minimumf %parallel_loop3A_809, %parallel_loop3A_811 : vector<16xf32>
      %parallel_loop3A_837 = arith.minimumf %parallel_loop3A_813, %parallel_loop3A_815 : vector<16xf32>
      %parallel_loop3A_838 = arith.minimumf %parallel_loop3A_817, %parallel_loop3A_819 : vector<16xf32>
      %parallel_loop3A_839 = arith.minimumf %parallel_loop3A_821, %parallel_loop3A_823 : vector<16xf32>
      %parallel_loop3A_840 = arith.minimumf %parallel_loop3A_825, %parallel_loop3A_827 : vector<16xf32>
      %parallel_loop3A_841 = arith.minimumf %parallel_loop3A_829, %parallel_loop3A_831 : vector<16xf32>
      %parallel_loop3A_842 = arith.minimumf %parallel_loop3A_834, %parallel_loop3A_835 : vector<16xf32>
      %parallel_loop3A_843 = arith.minimumf %parallel_loop3A_836, %parallel_loop3A_837 : vector<16xf32>
      %parallel_loop3A_844 = arith.minimumf %parallel_loop3A_838, %parallel_loop3A_839 : vector<16xf32>
      %parallel_loop3A_845 = arith.minimumf %parallel_loop3A_840, %parallel_loop3A_841 : vector<16xf32>
      %parallel_loop3A_846 = arith.minimumf %parallel_loop3A_842, %parallel_loop3A_843 : vector<16xf32>
      %parallel_loop3A_847 = arith.minimumf %parallel_loop3A_844, %parallel_loop3A_845 : vector<16xf32>
      %parallel_loop3A_848 = arith.minimumf %parallel_loop3A_846, %parallel_loop3A_847 : vector<16xf32>
      %parallel_loop3A_849 = arith.minimumf %parallel_loop3A_848, %parallel_loop3A_833 : vector<16xf32>
      %parallel_loop3A_850 = arith.fptosi %parallel_loop3A_849 : vector<16xf32> to vector<16xi32>
      %parallel_loop3A_851 = arith.constant 3280 : i32
      %parallel_loop3A_852 = vector.broadcast %parallel_loop3A_851 : i32 to vector<16xi32>
      %parallel_loop3A_853 = arith.addi %parallel_loop3A_850, %parallel_loop3A_852 : vector<16xi32>
      %parallel_loop3A_854 = tpu.vector_load_idx %arg7[%parallel_loop3A_853] : memref<6568xi32, #tpu.memory_space<vmem>>[vector<16xi32>], vector<16xi32>,
      %parallel_loop3A_855 = arith.constant 0 : i32
      %parallel_loop3A_856 = vector.broadcast %parallel_loop3A_855 : i32 to vector<16xi32>
      %parallel_loop3A_857 = arith.addi %parallel_loop3A_854, %parallel_loop3A_856 : vector<16xi32>
      %parallel_loop3A_858 = tpu.vector_load_idx %arg5[%parallel_loop3A_857] : memref<80xf32, #tpu.memory_space<vmem>>[vector<16xi32>], vector<16xf32>,
      %parallel_loop3A_859 = arith.mulf %parallel_loop3A_858, %parallel_loop3A_634 : vector<16xf32>
      %parallel_loop3A_860 = arith.constant 0 : i32
      %parallel_loop3A_861 = arith.addi %parallel_loop3A_576, %parallel_loop3A_860 : i32
      %parallel_loop3A_862 = arith.index_cast %parallel_loop3A_861 : i32 to index
      %parallel_loop3A_863 = tpu.vector_load %arg6[%parallel_loop3A_862] {strides = array<i32>} : memref<32768xf32, #tpu.memory_space<vmem>>, vector<16xf32>,
      tpu.vector_store %arg6[%parallel_loop3A_862], %parallel_loop3A_859 {strides = array<i32>} : memref<32768xf32, #tpu.memory_space<vmem>>, vector<16xf32>,
      %parallel_loop3A_864 = arith.constant 1 : i32
      %parallel_loop3A_865 = vector.broadcast %parallel_loop3A_864 : i32 to vector<16xi32>
      %parallel_loop3A_866 = arith.addi %parallel_loop3A_854, %parallel_loop3A_865 : vector<16xi32>
      %parallel_loop3A_867 = tpu.vector_load_idx %arg5[%parallel_loop3A_866] : memref<80xf32, #tpu.memory_space<vmem>>[vector<16xi32>], vector<16xf32>,
      %parallel_loop3A_868 = arith.mulf %parallel_loop3A_867, %parallel_loop3A_638 : vector<16xf32>
      %parallel_loop3A_869 = arith.constant 128 : i32
      %parallel_loop3A_870 = arith.addi %parallel_loop3A_576, %parallel_loop3A_869 : i32
      %parallel_loop3A_871 = arith.index_cast %parallel_loop3A_870 : i32 to index
      %parallel_loop3A_872 = tpu.vector_load %arg6[%parallel_loop3A_871] {strides = array<i32>} : memref<32768xf32, #tpu.memory_space<vmem>>, vector<16xf32>,
      tpu.vector_store %arg6[%parallel_loop3A_871], %parallel_loop3A_868 {strides = array<i32>} : memref<32768xf32, #tpu.memory_space<vmem>>, vector<16xf32>,
      %parallel_loop3A_873 = arith.constant 2 : i32
      %parallel_loop3A_874 = vector.broadcast %parallel_loop3A_873 : i32 to vector<16xi32>
      %parallel_loop3A_875 = arith.addi %parallel_loop3A_854, %parallel_loop3A_874 : vector<16xi32>
      %parallel_loop3A_876 = tpu.vector_load_idx %arg5[%parallel_loop3A_875] : memref<80xf32, #tpu.memory_space<vmem>>[vector<16xi32>], vector<16xf32>,
      %parallel_loop3A_877 = arith.mulf %parallel_loop3A_876, %parallel_loop3A_642 : vector<16xf32>
      %parallel_loop3A_878 = arith.constant 256 : i32
      %parallel_loop3A_879 = arith.addi %parallel_loop3A_576, %parallel_loop3A_878 : i32
      %parallel_loop3A_880 = arith.index_cast %parallel_loop3A_879 : i32 to index
      %parallel_loop3A_881 = tpu.vector_load %arg6[%parallel_loop3A_880] {strides = array<i32>} : memref<32768xf32, #tpu.memory_space<vmem>>, vector<16xf32>,
      tpu.vector_store %arg6[%parallel_loop3A_880], %parallel_loop3A_877 {strides = array<i32>} : memref<32768xf32, #tpu.memory_space<vmem>>, vector<16xf32>,
      %parallel_loop3A_882 = arith.constant 3 : i32
      %parallel_loop3A_883 = vector.broadcast %parallel_loop3A_882 : i32 to vector<16xi32>
      %parallel_loop3A_884 = arith.addi %parallel_loop3A_854, %parallel_loop3A_883 : vector<16xi32>
      %parallel_loop3A_885 = tpu.vector_load_idx %arg5[%parallel_loop3A_884] : memref<80xf32, #tpu.memory_space<vmem>>[vector<16xi32>], vector<16xf32>,
      %parallel_loop3A_886 = arith.mulf %parallel_loop3A_885, %parallel_loop3A_646 : vector<16xf32>
      %parallel_loop3A_887 = arith.constant 384 : i32
      %parallel_loop3A_888 = arith.addi %parallel_loop3A_576, %parallel_loop3A_887 : i32
      %parallel_loop3A_889 = arith.index_cast %parallel_loop3A_888 : i32 to index
      %parallel_loop3A_890 = tpu.vector_load %arg6[%parallel_loop3A_889] {strides = array<i32>} : memref<32768xf32, #tpu.memory_space<vmem>>, vector<16xf32>,
      tpu.vector_store %arg6[%parallel_loop3A_889], %parallel_loop3A_886 {strides = array<i32>} : memref<32768xf32, #tpu.memory_space<vmem>>, vector<16xf32>,
    } {sc.loop_unroll_factor = 1 : i64, sc.parallel_access}
    %dma_wait3A_559 = arith.constant 0 : i32
    %dma_wait3A_560 = tpu.memref_slice %arg6[%dma_wait3A_559] : memref<32768xf32, #tpu.memory_space<vmem>> -> memref<16384xf32, #tpu.memory_space<vmem>>
    %dma_wait3A_561 = tpu.memref_slice %arg3[%mul3A_2] : memref<1048576xf32, #tpu.memory_space<hbm>> -> memref<16384xf32, #tpu.memory_space<hbm>>
    %dma_wait3A_562 = tpu.memref_slice %arg3[%mul3A_2] : memref<1048576xf32, #tpu.memory_space<hbm>> -> memref<16384xf32, #tpu.memory_space<hbm>>
    %dma_wait3A_563 = arith.constant 0 : i32
    %dma_wait3A_564 = tpu.memref_slice %arg6[%dma_wait3A_563] : memref<32768xf32, #tpu.memory_space<vmem>> -> memref<16384xf32, #tpu.memory_space<vmem>>
    tpu.wait_dma2 semaphore(%arg10 : memref<!tpu.dma_semaphore, #tpu.memory_space<semaphore_mem>>) src(%dma_wait3A_564 : memref<16384xf32, #tpu.memory_space<vmem>>) dst(%dma_wait3A_562 : memref<16384xf32, #tpu.memory_space<hbm>>)
    %add3A_565 = arith.constant 16384 : i32
    %add3A_566 = arith.addi %mul3A_2, %add3A_565 : i32
    "tpu.region"() ({
      %run_scoped3A = tpu.sem_alloc : memref<!tpu.dma_semaphore, #tpu.memory_space<semaphore_mem>>
      %dma_start3A_567 = arith.constant 16384 : i32
      %dma_start3A_568 = tpu.memref_slice %arg6[%dma_start3A_567] : memref<32768xf32, #tpu.memory_space<vmem>> -> memref<16384xf32, #tpu.memory_space<vmem>>
      %dma_start3A_569 = tpu.memref_slice %arg3[%add3A_566] : memref<1048576xf32, #tpu.memory_space<hbm>> -> memref<16384xf32, #tpu.memory_space<hbm>>
      %dma_start3A_570 = tpu.memref_slice %arg3[%add3A_566] : memref<1048576xf32, #tpu.memory_space<hbm>> -> memref<16384xf32, #tpu.memory_space<hbm>>
      %dma_start3A_571 = arith.constant 16384 : i32
      %dma_start3A_572 = tpu.memref_slice %arg6[%dma_start3A_571] : memref<32768xf32, #tpu.memory_space<vmem>> -> memref<16384xf32, #tpu.memory_space<vmem>>
      tpu.enqueue_dma source(%dma_start3A_572 : memref<16384xf32, #tpu.memory_space<vmem>>) target(%dma_start3A_570 : memref<16384xf32, #tpu.memory_space<hbm>>) target_semaphore(%run_scoped3A : memref<!tpu.dma_semaphore, #tpu.memory_space<semaphore_mem>>)
      %dma_wait3A_573 = arith.constant 16384 : i32
      %dma_wait3A_574 = tpu.memref_slice %arg6[%dma_wait3A_573] : memref<32768xf32, #tpu.memory_space<vmem>> -> memref<16384xf32, #tpu.memory_space<vmem>>
      %dma_wait3A_575 = tpu.memref_slice %arg3[%add3A_566] : memref<1048576xf32, #tpu.memory_space<hbm>> -> memref<16384xf32, #tpu.memory_space<hbm>>
      %dma_wait3A_576 = tpu.memref_slice %arg3[%add3A_566] : memref<1048576xf32, #tpu.memory_space<hbm>> -> memref<16384xf32, #tpu.memory_space<hbm>>
      %dma_wait3A_577 = arith.constant 16384 : i32
      %dma_wait3A_578 = tpu.memref_slice %arg6[%dma_wait3A_577] : memref<32768xf32, #tpu.memory_space<vmem>> -> memref<16384xf32, #tpu.memory_space<vmem>>
      tpu.wait_dma2 semaphore(%run_scoped3A : memref<!tpu.dma_semaphore, #tpu.memory_space<semaphore_mem>>) src(%dma_wait3A_578 : memref<16384xf32, #tpu.memory_space<vmem>>) dst(%dma_wait3A_576 : memref<16384xf32, #tpu.memory_space<hbm>>)
      tpu.yield
    }) : () -> ()
    return
  }
}

</mosaic_0001>

<sc_bundles>
// kernel: kernel.3.cloned.1.call-start
scs
__scs_entry_jumppad:
0x0: {  	(pc) =	sbr.rel $0x88, $3  }
0x1: {  	(tag) =	ssettag $0x0;
	lr =	simm.s32 $0x1  }
0x2: {  	[smem:$0x3FA0] =	sst lr;
	_ =	strace $0xD0000000  }
0x3: {  	_ = 	snop  }
0x4: {  	_ = 	snop  }
0x5: {  	_ = 	snop  }
0x6: {  	_ = 	snop  }
0x7: {  	_ = 	snop  }
__scs_overlays_trampoline_lowered:
0x8: {  	[smem:$0x3FAF] =	sst s0  }
0x9: {  	[smem:$0x3FB0] =	sst s1  }
0xa: {  	[smem:$0x3FB1] =	sst s2  }
0xb: {  	[smem:$0x3FB2] =	sst s3  }
0xc: {  	[smem:$0x3FB3] =	sst s4  }
0xd: {  	[smem:$0x3FB4] =	sst s5  }
0xe: {  	[smem:$0x3FB5] =	sst s6  }
0xf: {  	[smem:$0x3FB6] =	sst s7  }
0x10: {  	[smem:$0x3FB7] =	sst s8  }
0x11: {  	[smem:$0x3FB8] =	sst s9;
	s0 =	simm.s32 @!p0 $0x0  }
0x12: {  	s1 =	sld [smem:$0x3F9E];
	s0 =	simm.s32 @p0 $0x1  }
0x13: {  	[smem:$0x3FB9] =	sst s0;
	s0 =	simm.s32 @!p1 $0x0  }
0x14: {  	s2 =	sld [smem:$0x3F9D];
	s0 =	simm.s32 @p1 $0x1  }
0x15: {  	[smem:$0x3FBA] =	sst s0;
	s0 =	simm.s32 @!p2 $0x0  }
0x16: {  	s3 =	sld [smem:$0x3FDB];
	s0 =	simm.s32 @p2 $0x1  }
0x17: {  	s4 =	simm.s32 $0x1BF5;
	[smem:$0x3FBC] =	sst s0  }
0x18: {  	s0 =	sld [smem:$0x3F9F];
	_ =	swait.ge [sflag:s4], $0x0  }
0x19: {  	s7 =	sld [smem:$0x3FA0]  }
0x1a: {  	s8 =	sadd.s32 $0xFFFFE003, lr  }
0x1b: {  	s9 =	sadd.s32 $0xFFFFFEF7, lr;
	s5 =	simm.s32 $0xFFFFFFFF;
	p2 =	slt.u32 s8, $0xFFFFF086  }
0x1c: {  	p1 =	slt.u32 s9, $0xF7A;
	s5 =	simm.s32 @!p2 $0x0  }
0x1d: {  	s5 =	simm.s32 @p1 $0x1;
	p0 =	seq.s32 s7, s2  }
0x1e: {  	s7 =	smul.u32 @!p0 $0xF7A, s2;
	p2 =	seq.s32 @!p0 s5, $0x0  }
0x1f: {  	s9 =	smul.u32 $0xF7A, s1;
	s8 =	simm.s32 @!p0 $0x1BF5;
	p2 =	por !p2, p0  }
0x20: {  	[sflag:s8] =	ssyncset.s32 @!p0 $0xFFFFF086;
	s6 =	sadd.s32 @!p0 s3, s7;
	s7 =	simm.s32 @!p0 $0x108  }
0x21: {  	s3 =	sadd.s32 s3, s9;
	s6 =	sadd.s32 @!p0 $0x88, s6;
	s7 =	simm.s32 @p2 $0x1082  }
0x22: {  	[simem:s7], [sflag:s8] =	dma.local @!p0 [hbm:s6], $0xF7A  }
0x23: {  	s9 =	sor.u32 $0xD0000000, s2;
	s6 =	simm.s32 $0x108;
	_ =	swait.ge @!p0 [sflag:s8], $0x0  }
0x24: {  	s3 =	sadd.s32 $0x88, s3;
	s6 =	simm.s32 @!p1 $0x1082;
	[sflag:s4] =	ssyncset.s32 $0xFFFFF086  }
0x25: {  	[simem:s6], [sflag:s4] =	dma.local [hbm:s3], $0xF7A  }
0x26: {  	[smem:$0x3FA0] =	sst s1;
	(tag) =	ssettag s2;
	_ =	strace s9  }
0x27: {  	s1 =	sld [smem:$0x3FB0]  }
0x28: {  	s2 =	sld [smem:$0x3FB1]  }
0x29: {  	s4 =	sld [smem:$0x3FB3]  }
0x2a: {  	p0 =	seq.s32 s5, $0x0;
	s5 =	sld [smem:$0x3FB4]  }
0x2b: {  	s6 =	sld [smem:$0x3FB5]  }
0x2c: {  	s7 =	sld [smem:$0x3FB6]  }
0x2d: {  	s3 =	simm.s32 $0x108;
	s8 =	sld [smem:$0x3FB7]  }
0x2e: {  	s3 =	simm.s32 @!p0 $0x1082;
	s9 =	sld [smem:$0x3FB8]  }
0x2f: {  	lr =	sadd.s32 s0, s3;
	s0 =	sld [smem:$0x3FAF]  }
0x30: {  	s3 =	sld [smem:$0x3FB2]  }
0x31: {  	[smem:$0x3FBB] =	sst s10  }
0x32: {  	s10 =	sld [smem:$0x3FB9];
	_ =	sdelay $0x3  }
0x33: {  	p0 =	seq.s32 s10, $0x1;
	s10 =	sld [smem:$0x3FBB];
	_ =	sdelay $0x3  }
0x34: {  	[smem:$0x3FBB] =	sst s10  }
0x35: {  	s10 =	sld [smem:$0x3FBA];
	_ =	sdelay $0x3  }
0x36: {  	p1 =	seq.s32 s10, $0x1;
	s10 =	sld [smem:$0x3FBB];
	_ =	sdelay $0x3  }
0x37: {  	[smem:$0x3FBB] =	sst s10  }
0x38: {  	s10 =	sld [smem:$0x3FBC]  }
0x39: {  	_ = 	snop;
	(pc) =	sbr.ind lr, $3  }
0x3a: {  	_ = 	snop  }
0x3b: {  	_ = 	snop  }
0x3c: {  	p2 =	seq.s32 s10, $0x1;
	s10 =	sld [smem:$0x3FBB]  }
0x3d: {  	_ =	shalt  }
0x3e: {  	_ =	shalt  }
0x3f: {  	_ =	shalt  }
0x40: {  	_ =	shalt  }
0x41: {  	_ =	shalt  }
0x42: {  	_ =	shalt  }
0x43: {  	_ =	shalt  }
0x44: {  	_ =	shalt  }
0x45: {  	_ =	shalt  }
0x46: {  	_ =	shalt  }
0x47: {  	_ =	shalt  }
0x48: {  	_ =	shalt  }
0x49: {  	_ =	shalt  }
0x4a: {  	_ =	shalt  }
0x4b: {  	_ =	shalt  }
0x4c: {  	_ =	shalt  }
0x4d: {  	_ =	shalt  }
0x4e: {  	_ =	shalt  }
0x4f: {  	_ =	shalt  }
0x50: {  	_ =	shalt  }
0x51: {  	_ =	shalt  }
0x52: {  	_ =	shalt  }
0x53: {  	_ =	shalt  }
0x54: {  	_ =	shalt  }
0x55: {  	_ =	shalt  }
0x56: {  	_ =	shalt  }
0x57: {  	_ =	shalt  }
0x58: {  	_ =	shalt  }
0x59: {  	_ =	shalt  }
0x5a: {  	_ =	shalt  }
0x5b: {  	_ =	shalt  }
0x5c: {  	_ =	shalt  }
0x5d: {  	_ =	shalt  }
0x5e: {  	_ =	shalt  }
0x5f: {  	_ =	shalt  }
0x60: {  	_ =	shalt  }
0x61: {  	_ =	shalt  }
0x62: {  	_ =	shalt  }
0x63: {  	_ =	shalt  }
0x64: {  	_ =	shalt  }
0x65: {  	_ =	shalt  }
0x66: {  	_ =	shalt  }
0x67: {  	_ =	shalt  }
0x68: {  	_ =	shalt  }
0x69: {  	_ =	shalt  }
0x6a: {  	_ =	shalt  }
0x6b: {  	_ =	shalt  }
0x6c: {  	_ =	shalt  }
0x6d: {  	_ =	shalt  }
0x6e: {  	_ =	shalt  }
0x6f: {  	_ =	shalt  }
0x70: {  	_ =	shalt  }
0x71: {  	_ =	shalt  }
0x72: {  	_ =	shalt  }
0x73: {  	_ =	shalt  }
0x74: {  	_ =	shalt  }
0x75: {  	_ =	shalt  }
0x76: {  	_ =	shalt  }
0x77: {  	_ =	shalt  }
0x78: {  	_ =	shalt  }
0x79: {  	_ =	shalt  }
0x7a: {  	_ =	shalt  }
0x7b: {  	_ =	shalt  }
0x7c: {  	_ =	shalt  }
0x7d: {  	_ =	shalt  }
0x7e: {  	_ =	shalt  }
0x7f: {  	_ =	shalt  }
0x80: {  	_ =	shalt  }
0x81: {  	_ =	shalt  }
0x82: {  	_ =	shalt  }
0x83: {  	_ =	shalt  }
0x84: {  	_ =	shalt  }
0x85: {  	_ =	shalt  }
0x86: {  	_ =	shalt  }
0x87: {  	_ =	shalt  }
.Lfunc_end0:
.L_simem_size_0:
called_computation_lowered:
.L_overlay_start_0:
0x88: {  	s2 =	sld [smem:$0x3FD9]  }
0x89: {  	s3 =	sld [smem:$0x3FFE];
	_ =	sdelay $0x1  }
0x8a: {  	s1 =	srdreg.scid  }
0x8b: {  	s0 =	sand.u32 $0x1, s1  }
0x8c: {  	s18 =	sshll.u32 s0, $0xA;
	s2 =	sadd.s32 s3, s2  }
0x8d: {  	s2 =	sadd.s32 s2, s18  }
0x8e: {  	[smem:$0x3FC7] =	sst s2  }
0x8f: {  	_ = 	snop  }
0x90: {  	s2 =	sld [smem:$0x3FC9]  }
0x91: {  	s19 =	sld [smem:$0x3FD0];
	(tm) =	ssettm $0x1  }
0x92: {  	s4 =	sld [smem:$0x3FFB];
	_ =	sdelay $0x3  }
0x93: {  	_ =	strace s4  }
0x94: {  	s4 =	sld [smem:$0x3FFC];
	_ =	sdelay $0x3  }
0x95: {  	_ =	strace s4  }
0x96: {  	s4 =	sld [smem:$0x3FFD];
	_ =	sdelay $0x3  }
0x97: {  	_ =	strace s4  }
0x98: {  	_ =	strace $0x8FFFFFFF  }
0x99: {  	s20 =	sld [smem:$0x3FDB];
	_ =	sdelay $0x1  }
0x9a: {  	s5 =	simm.s32 $_scs_section_size  }
0x9b: {  	s6 =	simm.s32 $_size__tile_overlayer_lowered;
	s7 =	simm.s32 $_tile_overlayer_lowered  }
0x9c: {  	s23 =	simm.s32 $0x1BFF;
	s22 =	sshll.u32 s7, $0x1;
	s4 =	sadd.s32 s5, s20  }
0x9d: {  	s8 =	simm.s32 $0x0;
	s21 =	sshll.u32 s6, $0x1;
	s6 =	sadd.s32 s22, s4  }
0x9e: {  	[timem:s8], [sflag:s23] =	dma.local [hbm:s6], s21  }
0x9f: {  	_ =	swait.ge [sflag:s23], s21  }
0xa0: {  	s5 =	ssub.s32 $0x0, s21;
	[sflag:s23] =	ssyncset.done $0x0  }
0xa1: {  	[sflag:s23] =	ssyncadd.s32 s5;
	_ =	sdelay $0x1  }
0xa2: {  	s24 =	simm.s32 $0x1B8B  }
0xa3: {  	_ =	swait.ge [sflag:s24], $0x1  }
0xa4: {  	[sflag:s24] =	ssyncset.done $0x0  }
0xa5: {  	s25 =	simm.s32 $0x1B8E;
	[sflag:s24] =	ssyncadd.s32 $0xFFFFFFFF  }
0xa6: {  	s26 =	simm.s32 $execute0_lowered;
	[smem:$0x3FD2] =	sst s25  }
0xa7: {  	s5 =	sshll.u32 s26, $0x1;
	_ =	strace $0x80000046;
	[dreg:$0x1] =	wrdreg $0xFFFFFFFF  }
0xa8: {  	s28 =	simm.s32 $_size_execute0_lowered;
	s4 =	sadd.s32 s4, s5;
	[dreg:$0x0] =	wrdreg $0x0  }
0xa9: {  	s5 =	sshll.u32 s28, $0x1;
	[dreg:$0x2] =	wrdreg s4  }
0xaa: {  	[dreg:$0x3] =	wrdreg s5  }
0xab: {  	[dreg:$0x4] =	wrdreg $0xC0  }
0xac: {  	_ =	task [dreg:s8], $0x5FFFF  }
0xad: {  	[dreg:$0x1] =	wrdreg $0xFFFFFFFF  }
0xae: {  	[dreg:$0x0] =	wrdreg $0x60  }
0xaf: {  	[dreg:$0x2] =	wrdreg s2  }
0xb0: {  	[dreg:$0x3] =	wrdreg s19  }
0xb1: {  	[dreg:$0x4] =	wrdreg $0x9  }
0xb2: {  	_ =	task.clear_ibuf [dreg:s8], $0x5FFFF;
	_ =	strace $0x90000046  }
0xb3: {  	s29 =	simm.s32 $0x9;
	_ =	strace $0x80000048  }
0xb4: {  	_ =	swait.ge [sflag:s29], $0x1  }
0xb5: {  	[sflag:s29] =	ssyncadd.s32 $0xFFFFFFFF  }
0xb6: {  	_ =	strace $0x90000048  }
0xb7: {  	_ =	sfence  }
0xb8: {  	s30 =	sld [smem:$0x0];
	_ =	sdelay $0x2  }
0xb9: {  	s31 =	sshll.u32 s1, $0xD;
	s1 =	sshrl.u32 s1, $0x2  }
0xba: {  	s3 =	sand.u32 $0x4000, s31;
	s1 =	sadd.s32 s1, s30  }
0xbb: {  	s0 =	sor.u32 s3, s0;
	s1 =	sshll.u32 s1, $0x11  }
0xbc: {  	s0 =	sor.u32 s1, s0  }
0xbd: {  	s0 =	sadd.s32 $0x8F2B, s0  }
0xbe: {  	[sflag:s0] =	ssyncadd.remote.s32 $0x1  }
0xbf: {  	_ =	sfence.sel $0xFFFF  }
0xc0: {  	[dreg:$0x0] =	wrdreg $0xFFFFFFFF;
	(pc) =	sbr.abs _section_cstart, $3  }
0xc1: {  	[dreg:$0x1] =	wrdreg $0xFFFFFFFF  }
0xc2: {  	_ =	task.clear_ibuf [dreg:s8], $0x2FFFF;
	_ =	strace $0x9FFFFFFF  }
0xc3: {  	(tm) =	ssettm $0x7FFFFFFF  }
tec
execute0_lowered:
.L_overlay_start_1:
0x0: {  	(tag) =	ssettag $0x1  }
0x1: {  	v0 =	vimm.f32 $1.000000000e+00;
	vm0 =	vcmask $0xF00  }
0x2: {  	v1 =	vimm.f32 $3.090170030e-01;
	vm1 =	vcmask $0x1304;
	vm4 =	vcmask $0x1310  }
0x3: {  	vm5 =	vcmask $0x1714;
	vm7 =	vcmask $0x2718;
	vm2 =	vcmask $0x1F1C  }
0x4: {  	vm3 =	vcmask $0x2320;
	vm8 =	vcmask $0x3B2C;
	vm13 =	vcmask $0x300  }
0x5: {  	v5 =	vimm.f32 $0.0e+00;
	vm11 =	vcmask $0x704;
	vm12 =	vcmask $0xB08  }
0x6: {  	vm10 =	vcmask $0xF0C;
	vm6 =	vcmask $0x3330;
	vm9 =	vcmask $0x2724  }
0x7: {  	vm14 =	vcmask $0x3734;
	v2 =	vsel vm0, $0x3F000000, v1;
	v3 =	vsel vm1, $0x0, v0  }
0x8: {  	vm1 =	vcmask $0x2B28;
	vm0 =	vcmask $0x2F2C;
	v3 =	vsel vm7, $0x0, v3  }
0x9: {  	v1 =	vsel vm11, $0x3F000000, v1;
	v2 =	vsel vm4, $0x3F4F1BBD, v2;
	v3 =	vsel vm8, $0x0, v3  }
0xa: {  	v1 =	vsel vm12, $0x0, v1;
	vm7 =	vcmask $0x3B38;
	[tilespmem:$0x1FF40] =	vst v3;
	v3 =	vsel vm13, $0x3F000000, v5  }
0xb: {  	v2 =	vsel vm5, $0x3F000000, v2;
	v1 =	vsel vm10, $0x3F4F1BBD, v1;
	v3 =	vsel vm11, $0x3F4F1BBD, v3  }
0xc: {  	vm8 =	vcmask $0x1B18;
	v1 =	vsel vm5, $0x0, v1;
	v3 =	vsel vm10, $0x3E9E377A, v3  }
0xd: {  	v2 =	vsel vm2, $0x0, v2;
	v1 =	vsel vm8, $0x3F4F1BBD, v1;
	v3 =	vsel vm4, $0x3F000000, v3  }
0xe: {  	v2 =	vsel vm3, $0x3F4F1BBD, v2;
	v1 =	vsel vm2, $0x3F000000, v1;
	v3 =	vsel vm5, $0x3E9E377A, v3  }
0xf: {  	v2 =	vsel vm1, $0x0, v2;
	v1 =	vsel vm3, $0x0, v1;
	v3 =	vsel vm8, $0x3F4F1BBD, v3  }
0x10: {  	v2 =	vsel vm0, $0x3F000000, v2;
	v1 =	vsel vm9, $0x3F4F1BBD, v1;
	v3 =	vsel vm3, $0x3F000000, v3  }
0x11: {  	v2 =	vsel vm6, $0x3F4F1BBD, v2;
	v1 =	vsel vm0, $0x3F000000, v1;
	v3 =	vsel vm1, $0x3E9E377A, v3  }
0x12: {  	v2 =	vsel vm14, $0x0, v2;
	v1 =	vsel vm6, $0x0, v1;
	v3 =	vsel vm0, $0x3F4F1BBD, v3  }
0x13: {  	v2 =	vsel vm7, $0x3F000000, v2;
	v1 =	vsel vm14, $0x3F000000, v1;
	v3 =	vsel vm6, $0x3E9E377A, v3  }
0x14: {  	[tilespmem:$0x1FF50] =	vst v2;
	v1 =	vsel vm7, $0x3F4F1BBD, v1;
	v2 =	vsel vm14, $0x3F4F1BBD, v3  }
0x15: {  	[tilespmem:$0x1FF70] =	vst v1;
	v2 =	vsel vm7, $0x3F000000, v2  }
0x16: {  	v1 =	vimm.s32 $0x668;
	[tilespmem:$0x1FF60] =	vst v2;
	v2 =	vsel vm11, $0x3E9E377A, v5  }
0x17: {  	v7 =	vlaneseq.u32;
	v1 =	vsel vm13, $0x1338, v1;
	v2 =	vsel vm12, $0x3F000000, v2  }
0x18: {  	v8 =	vshrl.u32 v7, $0x1;
	v1 =	vsel vm11, $0x7D4, v1;
	v2 =	vsel vm10, $0x3F4F1BBD, v2  }
0x19: {  	v1 =	vsel vm12, $0x11F4, v1;
	[tilespmem:$0x1FF80] =	vst v2;
	v2 =	vand.u32 $0x1, v8  }
0x1a: {  	v1 =	vsel vm10, $0x690, v1;
	v2 =	vmul.u32 $0xFFFFFD78, v2  }
0x1b: {  	v1 =	vsel vm4, $0x1314, v1  }
0x1c: {  	v9 =	vshrl.u32 v7, $0x2;
	v1 =	vsel vm5, $0x7B0, v1;
	v2 =	vadd.s32 $0xE14, v2  }
0x1d: {  	v56 =	vand.u32 $0x1, v7;
	v1 =	vsel vm8, $0x11D0, v1;
	[tilespmem:$0x1FFA0] =	vst v2;
	v2 =	vand.u32 $0x1, v9  }
0x1e: {  	v7 =	vshrl.u32 v7, $0x3;
	v1 =	vsel vm2, $0x66C, v1;
	v2 =	vmul.u32 $0xFFFFFFB8, v2  }
0x1f: {  	v7 =	vmul.u32 $0xFFFFFFF8, v7;
	v1 =	vsel vm3, $0x1334, v1  }
0x20: {  	v1 =	vsel vm9, $0x7D0, v1;
	v2 =	vadd.s32 $0xCF4, v2  }
0x21: {  	v1 =	vsel vm1, $0x11F0, v1;
	[tilespmem:$0x1FFB0] =	vst v2;
	v2 =	vadd.s32 $0xCD4, v7  }
0x22: {  	v1 =	vsel vm0, $0x68C, v1;
	[tilespmem:$0x1FFC0] =	vst v2;
	v2 =	vimm.s32 $0x39A  }
0x23: {  	v1 =	vsel vm6, $0x1310, v1;
	v2 =	vsel vm13, $0x1606, v2  }
0x24: {  	v1 =	vsel vm14, $0x7AC, v1;
	v2 =	vsel vm11, $0x4F0, v2  }
0x25: {  	v57 =	vimm.s32 $0x3F2;
	v1 =	vsel vm7, $0x11CC, v1;
	v2 =	vsel vm12, $0x14C2, v2  }
0x26: {  	v7 =	vsel vm13, $0x15AE, v57;
	[tilespmem:$0x1FFD0] =	vst v1;
	v1 =	vsel vm10, $0x3AC, v2  }
0x27: {  	v2 =	vsel vm11, $0x498, v7;
	v1 =	vsel vm4, $0x15F4, v1  }
0x28: {  	v2 =	vsel vm12, $0x150C, v2;
	v1 =	vsel vm5, $0x4DE, v1  }
0x29: {  	v2 =	vsel vm10, $0x3F6, v2;
	v1 =	vsel vm8, $0x14B0, v1  }
0x2a: {  	v58 =	vimm.s32 $0x432;
	v2 =	vsel vm4, $0x15AE, v2;
	v1 =	vsel vm3, $0x1606, v1  }
0x2b: {  	v7 =	vsel vm13, $0x156E, v58;
	v2 =	vsel vm5, $0x498, v2;
	v1 =	vsel vm9, $0x4F0, v1  }
0x2c: {  	v7 =	vsel vm11, $0x458, v7;
	v2 =	vsel vm8, $0x150C, v2;
	v1 =	vsel vm1, $0x14C2, v1  }
0x2d: {  	v7 =	vsel vm12, $0x156E, v7;
	v2 =	vsel vm2, $0x3F6, v2;
	v1 =	vsel vm0, $0x3AC, v1  }
0x2e: {  	v7 =	vsel vm10, $0x458, v7;
	v2 =	vsel vm3, $0x15AA, v2;
	v1 =	vsel vm6, $0x15F4, v1  }
0x2f: {  	v7 =	vsel vm4, $0x154A, v7;
	v2 =	vsel vm9, $0x494, v2;
	v1 =	vsel vm14, $0x4DE, v1  }
0x30: {  	v7 =	vsel vm5, $0x434, v7;
	v2 =	vsel vm1, $0x1508, v2;
	v1 =	vsel vm7, $0x14B0, v1  }
0x31: {  	v7 =	vsel vm8, $0x154A, v7;
	[tilespmem:$0x1FFE0] =	vst v1;
	v1 =	vsel vm6, $0x15AA, v2  }
0x32: {  	v2 =	vsel vm2, $0x434, v7;
	v1 =	vsel vm14, $0x494, v1  }
0x33: {  	v2 =	vsel vm3, $0x156C, v2;
	v1 =	vsel vm7, $0x1508, v1  }
0x34: {  	[tilespmem:$0x1FFF0] =	vst v1;
	v1 =	vsel vm9, $0x456, v2;
	v2 =	vimm.s32 $0x62A  }
0x35: {  	v1 =	vsel vm1, $0x156C, v1;
	v2 =	vsel vm13, $0x1376, v2  }
0x36: {  	v59 =	vimm.s32 $0x6B2;
	v1 =	vsel vm0, $0x456, v1;
	v2 =	vsel vm11, $0x812, v2  }
0x37: {  	v7 =	vsel vm13, $0x12EE, v59;
	v1 =	vsel vm6, $0x1548, v1;
	v2 =	vsel vm12, $0x1190, v2  }
0x38: {  	v20 =	vsel vm7, $0x1548, v1;
	v1 =	vsel vm10, $0x62C, v2;
	v2 =	vsel vm11, $0x78A, v7  }
0x39: {  	v1 =	vsel vm4, $0x1376, v1;
	v2 =	vsel vm12, $0x124C, v2  }
0x3a: {  	v60 =	vimm.s32 $0x712;
	v1 =	vsel vm5, $0x812, v1;
	v2 =	vsel vm10, $0x6E8, v2  }
0x3b: {  	v7 =	vsel vm13, $0x128E, v60;
	v1 =	vsel vm8, $0x1190, v1;
	v2 =	vsel vm4, $0x12B8, v2  }
0x3c: {  	v7 =	vsel vm11, $0x72A, v7;
	v1 =	vsel vm2, $0x62C, v1;
	v2 =	vsel vm5, $0x754, v2  }
0x3d: {  	v7 =	vsel vm12, $0x128E, v7;
	v1 =	vsel vm3, $0x1374, v1;
	v2 =	vsel vm8, $0x1216, v2  }
0x3e: {  	v7 =	vsel vm10, $0x72A, v7;
	v1 =	vsel vm9, $0x810, v1;
	v2 =	vsel vm3, $0x12EE, v2  }
0x3f: {  	v7 =	vsel vm4, $0x127C, v7;
	v1 =	vsel vm1, $0x118E, v1;
	v2 =	vsel vm9, $0x78A, v2  }
0x40: {  	v7 =	vsel vm5, $0x718, v7;
	v1 =	vsel vm6, $0x1374, v1;
	v2 =	vsel vm1, $0x124C, v2  }
0x41: {  	v7 =	vsel vm8, $0x127C, v7;
	v1 =	vsel vm14, $0x810, v1;
	v2 =	vsel vm0, $0x6E8, v2  }
0x42: {  	v22 =	vsel vm7, $0x118E, v1;
	v1 =	vsel vm6, $0x12B8, v2;
	v2 =	vsel vm2, $0x718, v7  }
0x43: {  	v1 =	vsel vm14, $0x754, v1;
	v2 =	vsel vm3, $0x1288, v2  }
0x44: {  	v24 =	vsel vm7, $0x1216, v1;
	v1 =	vsel vm9, $0x724, v2;
	v2 =	vimm.s32 $0x8F2  }
0x45: {  	v61 =	vimm.s32 $0x952;
	v1 =	vsel vm1, $0x1288, v1;
	v2 =	vsel vm13, $0x10AE, v2  }
0x46: {  	v62 =	vimm.s32 $0x9DA;
	v1 =	vsel vm0, $0x724, v1;
	v2 =	vsel vm11, $0xAFC, v2  }
0x47: {  	v7 =	vsel vm13, $0x104E, v61;
	v1 =	vsel vm6, $0x1276, v1;
	v2 =	vsel vm12, $0xEC8, v2  }
0x48: {  	v26 =	vsel vm7, $0x1276, v1;
	v1 =	vsel vm10, $0x916, v2;
	v2 =	vsel vm11, $0xA9C, v7  }
0x49: {  	v63 =	vimm.s32 $0xC6A;
	v1 =	vsel vm4, $0x108A, v1;
	v2 =	vsel vm12, $0xF0A, v2  }
0x4a: {  	v6 =	vmul.u32 $0xFFFFE938, v56;
	v1 =	vsel vm5, $0xAD8, v1;
	v2 =	vsel vm10, $0x958, v2  }
0x4b: {  	v7 =	vsel vm13, $0xFC6, v62;
	v1 =	vsel vm8, $0xEA4, v1;
	v2 =	vsel vm4, $0x104E, v2  }
0x4c: {  	v7 =	vsel vm11, $0xA14, v7;
	v1 =	vsel vm3, $0x10AE, v1;
	v2 =	vsel vm5, $0xA9C, v2  }
0x4d: {  	v7 =	vsel vm12, $0xFC6, v7;
	v1 =	vsel vm9, $0xAFC, v1;
	v2 =	vsel vm8, $0xF0A, v2  }
0x4e: {  	v7 =	vsel vm10, $0xA14, v7;
	v1 =	vsel vm1, $0xEC8, v1;
	v2 =	vsel vm2, $0x958, v2  }
0x4f: {  	v7 =	vsel vm4, $0xF90, v7;
	v1 =	vsel vm0, $0x916, v1;
	v2 =	vsel vm3, $0x1048, v2  }
0x50: {  	v7 =	vsel vm5, $0x9DE, v7;
	v1 =	vsel vm6, $0x108A, v1;
	v2 =	vsel vm9, $0xA96, v2  }
0x51: {  	v7 =	vsel vm8, $0xF90, v7;
	v1 =	vsel vm14, $0xAD8, v1;
	v2 =	vsel vm1, $0xF04, v2  }
0x52: {  	v28 =	vsel vm7, $0xEA4, v1;
	v1 =	vsel vm6, $0x1048, v2;
	v2 =	vsel vm2, $0x9DE, v7  }
0x53: {  	vm15 =	vcmask $0x3730;
	v1 =	vsel vm14, $0xA96, v1;
	v2 =	vsel vm3, $0xFC2, v2  }
0x54: {  	v3 =	vadd.s32 $0x1834, v6;
	v30 =	vsel vm7, $0xF04, v1;
	v1 =	vsel vm9, $0xA10, v2  }
0x55: {  	s4 =	rddreg [dreg:$0x0];
	v2 =	vimm.s32 $0xBD2;
	vm9 =	vcmask $0x700;
	v1 =	vsel vm1, $0xFC2, v1  }
0x56: {  	s6 =	rddreg [dreg:$0x1];
	vm10 =	vcmask $0xF08;
	v2 =	vsel vm9, $0xDCE, v2;
	v1 =	vsel vm0, $0xA10, v1  }
0x57: {  	s0 =	rddreg [dreg:$0x2];
	s3 =	srdreg.scid;
	vm11 =	vcmask $0x1710;
	v2 =	vsel vm10, $0xBE8, v2;
	v1 =	vsel vm6, $0xF8C, v1  }
0x58: {  	s2 =	simm.s32 $0x0;
	s1 =	stileid.u32;
	s10 =	simm.s32 $0x1;
	v32 =	vsel vm7, $0xF8C, v1;
	v1 =	vsel vm11, $0xDBC, v2;
	v2 =	vimm.s32 $0xC12  }
0x59: {  	s11 =	simm.s32 $0x8000;
	s12 =	simm.s32 $0x8050;
	s13 =	simm.s32 $0x2;
	vm13 =	vcmask $0x2720;
	vm12 =	vcmask $0x1F18;
	v2 =	vsel vm9, $0xD8E, v2  }
0x5a: {  	s14 =	simm.s32 $0x3;
	s15 =	simm.s32 $0xC050;
	s3 =	sand.u32 $0x1, s3;
	vm14 =	vcmask $0x2F28;
	v7 =	vsel vm9, $0xD36, v63;
	v2 =	vsel vm10, $0xC4A, v2  }
0x5b: {  	s16 =	simm.s32 $0x4;
	s17 =	simm.s32 $0x0;
	s5 =	ssub.s32 $0x2, s3;
	v7 =	vsel vm10, $0xC94, v7;
	v1 =	vsel vm12, $0xBD6, v1;
	v2 =	vsel vm11, $0xD58, v2  }
0x5c: {  	s7 =	sshll.u32 s1, $0xD;
	s3 =	sshll.u32 s3, $0xC;
	s8 =	sshrl.u32 s5, $0x1;
	v7 =	vsel vm11, $0xD12, v7;
	v1 =	vsel vm13, $0xDCA, v1;
	v2 =	vsel vm12, $0xC14, v2  }
0x5d: {  	[smem:$0x7FF] =	sst s2;
	s7 =	sor.u32 s3, s7;
	s8 =	ssub.s32 s5, s8;
	v7 =	vsel vm12, $0xC70, v7;
	v1 =	vsel vm14, $0xBE4, v1;
	v2 =	vsel vm13, $0xD8C, v2  }
0x5e: {  	s9 =	sor.u32 $0x800, s7;
	s3 =	sadd.s32 s4, s7;
	s5 =	sadd.s32 s6, s7;
	v34 =	vsel vm15, $0xDB8, v1;
	v1 =	vsel vm14, $0xC48, v2;
	v2 =	vsel vm13, $0xD30, v7  }
0x5f: {  	s4 =	sadd.s32 s4, s9;
	s6 =	sadd.s32 s6, s9;
	s7 =	smax.u32 s8, $0x1;
	[tilespmem:$0x1FF90] =	vst v3;
	v36 =	vsel vm15, $0xD56, v1;
	v1 =	vsel vm14, $0xC8E, v2  }
0x60: {  	s8 =	simm.s32 $0x4000;
	s9 =	simm.s32 $0x10050;
	_ =	strace $0x80000047;
	v38 =	vsel vm15, $0xD0C, v1  }
.LBB2_1:
0x61: {  	v1 =	vld [tilespmem:$0x1FF40];
	_ =	sdelay $0x1  }
0x62: {  	[tilespmem:s2], [sflag:$0x1] =	stream.linear.gather [hbm4b:s3+s2], $0x4000, $0x38;
	[tilespmem:$0x119F8] =	vst v63  }
0x63: {  	_ = 	snop  }
0x64: {  	[tilespmem:s8], [sflag:$0x2] =	stream.linear.gather [hbm4b:s4+s2], $0x4000, $0x38;
	[tilespmem:$0x119F8] =	vst v63  }
0x65: {  	[tilespmem:$0x8000] =	vst v1;
	v1 =	vld [tilespmem:$0x1FF50];
	_ =	sdelay $0x4  }
0x66: {  	[tilespmem:$0x8010] =	vst v1;
	v1 =	vld [tilespmem:$0x1FF60];
	_ =	sdelay $0x4  }
0x67: {  	[tilespmem:$0x8020] =	vst v1;
	v1 =	vld [tilespmem:$0x1FF70];
	_ =	sdelay $0x4  }
0x68: {  	[tilespmem:$0x8030] =	vst v1;
	v1 =	vld [tilespmem:$0x1FF80];
	_ =	sdelay $0x4  }
0x69: {  	[tilespmem:$0x8040] =	vst v1;
	v1 =	vld [tilespmem:$0x1FF90];
	_ =	sdelay $0x6  }
0x6a: {  	v2 =	vimm.s32 $0x0  }
0x6b: {  	[tilespmem:v1+s9+$0x0] =	vst.idx.msk $0xffff, v2;
	v1 =	vld [tilespmem:$0x1FFA0];
	_ =	sdelay $0x6  }
0x6c: {  	v2 =	vimm.s32 $0x4  }
0x6d: {  	[tilespmem:v1+s9+$0x0] =	vst.idx.msk $0xffff, v2;
	v1 =	vld [tilespmem:$0x1FFB0];
	_ =	sdelay $0x6  }
0x6e: {  	v2 =	vimm.s32 $0x8  }
0x6f: {  	[tilespmem:v1+s9+$0x0] =	vst.idx.msk $0xffff, v2;
	v1 =	vld [tilespmem:$0x1FFC0];
	_ =	sdelay $0x6  }
0x70: {  	v2 =	vimm.s32 $0xC  }
0x71: {  	[tilespmem:v1+s9+$0x0] =	vst.idx.msk $0xffff, v2;
	v1 =	vld [tilespmem:$0x1FFD0];
	_ =	sdelay $0x6  }
0x72: {  	v2 =	vimm.s32 $0x10  }
0x73: {  	[tilespmem:v1+s9+$0x0] =	vst.idx.msk $0xffff, v2;
	v1 =	vld [tilespmem:$0x1FFE0];
	_ =	sdelay $0x6  }
0x74: {  	v2 =	vimm.s32 $0x14  }
0x75: {  	[tilespmem:v1+s9+$0x0] =	vst.idx.msk $0xffff, v2;
	v1 =	vld [tilespmem:$0x1FFF0];
	_ =	sdelay $0x6  }
0x76: {  	v2 =	vimm.s32 $0x18  }
0x77: {  	[tilespmem:v1+s9+$0x0] =	vst.idx.msk $0xffff, v2;
	v1 =	vimm.s32 $0x1C  }
0x78: {  	[tilespmem:v20+s9+$0x0] =	vst.idx.msk $0xffff, v1;
	v1 =	vimm.s32 $0x20  }
0x79: {  	[tilespmem:v22+s9+$0x0] =	vst.idx.msk $0xffff, v1;
	v1 =	vimm.s32 $0x24  }
0x7a: {  	[tilespmem:v24+s9+$0x0] =	vst.idx.msk $0xffff, v1;
	v1 =	vimm.s32 $0x28  }
0x7b: {  	[tilespmem:v26+s9+$0x0] =	vst.idx.msk $0xffff, v1;
	v1 =	vimm.s32 $0x2C  }
0x7c: {  	[tilespmem:v28+s9+$0x0] =	vst.idx.msk $0xffff, v1;
	v1 =	vimm.s32 $0x30  }
0x7d: {  	[tilespmem:v30+s9+$0x0] =	vst.idx.msk $0xffff, v1;
	v1 =	vimm.s32 $0x34  }
0x7e: {  	[tilespmem:v32+s9+$0x0] =	vst.idx.msk $0xffff, v1;
	v1 =	vimm.s32 $0x38  }
0x7f: {  	[tilespmem:v34+s9+$0x0] =	vst.idx.msk $0xffff, v1;
	v1 =	vimm.s32 $0x3C  }
0x80: {  	[tilespmem:v36+s9+$0x0] =	vst.idx.msk $0xffff, v1;
	v1 =	vimm.s32 $0x40  }
0x81: {  	[tilespmem:v38+s9+$0x0] =	vst.idx.msk $0xffff, v1  }
0x82: {  	_ =	swait.ge [sflag:s10], $0x4000  }
0x83: {  	s18 =	sand.u32 $0x3E00, s2;
	s19 =	sand.u32 $0x70, s2;
	[sflag:s10] =	ssyncset.done $0x0  }
0x84: {  	s18 =	sor.u32 s19, s18;
	[sflag:s10] =	ssyncadd.s32 $0xFFFFC000  }
0x85: {  	v1 =	vld [tilespmem:s18+$0x180]  }
0x86: {  	v2 =	vld [tilespmem:s18+$0x100]  }
0x87: {  	v7 =	vld [tilespmem:s18+$0x0]  }
0x88: {  	v9 =	vld [tilespmem:s18+$0x80];
	_ =	sdelay $0x3  }
0x89: {  	v11 =	vmul.f32 $6.553700000e+04, v1;
	v13 =	vmul.f32 $6.553700000e+04, v7  }
0x8a: {  	v15 =	vmul.f32 $6.553700000e+04, v2;
	v17 =	vmul.f32 $6.553700000e+04, v9  }
0x8b: {  	v1 =	vsub.f32 v1, v11;
	v7 =	vsub.f32 v7, v13  }
0x8c: {  	v2 =	vsub.f32 v2, v15;
	v9 =	vsub.f32 v9, v17  }
0x8d: {  	v1 =	vadd.f32 v1, v11;
	v7 =	vadd.f32 v7, v13  }
0x8e: {  	v2 =	vadd.f32 v2, v15;
	v9 =	vadd.f32 v9, v17  }
0x8f: {  	vm0 =	vlt.f32 v1, $0.0e+00;
	v1 =	vand.u32 $0x7FFFFFFF, v1;
	vm1 =	vlt.f32 v7, $0.0e+00  }
0x90: {  	vm2 =	vlt.f32 v2, $0.0e+00;
	v7 =	vand.u32 $0x7FFFFFFF, v7;
	v11 =	vand.u32 $0x7FFFFFFF, v9  }
0x91: {  	vm3 =	vlt.f32 v9, $0.0e+00;
	v2 =	vand.u32 $0x7FFFFFFF, v2;
	v40 =	vsel vm0, $0xBF800000, v0  }
0x92: {  	v41 =	vsel vm2, $0xBF800000, v0;
	v9 =	vmul.f32 $8.085937500e-01, v1;
	v13 =	vmul.f32 $8.085937500e-01, v7  }
0x93: {  	v54 =	vsel vm1, $0xBF800000, v0;
	v15 =	vmul.f32 $5.000000000e-01, v2;
	v17 =	vmul.f32 $5.000000000e-01, v11  }
0x94: {  	v42 =	vsel vm3, $0xBF800000, v0;
	v19 =	vmul.f32 $3.085937500e-01, v11;
	v23 =	vmul.f32 $8.085937500e-01, v11  }
0x95: {  	v25 =	vmul.f32 $5.000000000e-01, v7;
	v21 =	vadd.f32 v40, v40;
	v27 =	vadd.f32 v17, v13  }
0x96: {  	v31 =	vmul.f32 $3.085937500e-01, v2;
	v29 =	vadd.f32 v15, v19;
	v33 =	vadd.f32 v19, v13  }
0x97: {  	v35 =	vmul.f32 $3.085937500e-01, v7;
	v13 =	vadd.f32 v15, v13;
	v37 =	vadd.f32 v23, v25  }
0x98: {  	v39 =	vmul.f32 $8.085937500e-01, v2;
	v19 =	vadd.f32 v19, v25;
	v43 =	vadd.f32 v31, v25  }
0x99: {  	v44 =	vmul.f32 $9.000000000e+00, v41;
	v45 =	vadd.f32 v23, v35;
	v46 =	vadd.f32 v17, v35  }
0x9a: {  	v47 =	vmul.f32 $7.290000000e+02, v54;
	v35 =	vadd.f32 v39, v35;
	v23 =	vadd.f32 v31, v23  }
0x9b: {  	v48 =	vmul.f32 $8.100000000e+01, v42;
	v49 =	vadd.f32 v39, v17;
	v17 =	vadd.f32 v17, v25  }
0x9c: {  	v51 =	vmul.f32 $5.000000000e-01, v1;
	v50 =	vadd.f32 v44, v44;
	v25 =	vadd.f32 v47, v47  }
0x9d: {  	v53 =	vmul.f32 $3.085937500e-01, v1;
	v52 =	vadd.f32 v48, v48;
	v27 =	vadd.f32 v31, v27  }
0x9e: {  	v29 =	vadd.f32 v9, v29;
	v31 =	vadd.f32 v51, v33  }
0x9f: {  	v13 =	vadd.f32 v53, v13;
	v33 =	vadd.f32 v53, v37  }
0xa0: {  	v19 =	vadd.f32 v39, v19;
	v37 =	vadd.f32 v9, v43  }
0xa1: {  	v39 =	vadd.f32 v15, v45;
	v9 =	vadd.f32 v9, v46  }
0xa2: {  	v61 =	vmul.f32 $3.000000000e+00, v47;
	v35 =	vadd.f32 v51, v35;
	v23 =	vadd.f32 v51, v23  }
0xa3: {  	v62 =	vmax.f32 v7, v11;
	v46 =	vadd.f32 v53, v49;
	v15 =	vadd.f32 v15, v17  }
0xa4: {  	v55 =	vmax.f32 v2, v1;
	v49 =	vadd.f32 v50, v48;
	v53 =	vadd.f32 v52, v61  }
0xa5: {  	v17 =	vmul.f32 $3.000000000e+00, v48;
	v56 =	vadd.f32 v48, v61;
	v43 =	vadd.f32 v50, v61  }
0xa6: {  	v45 =	vmax.f32 v62, v55;
	v57 =	vadd.f32 v48, v25;
	v58 =	vadd.f32 v44, v25  }
0xa7: {  	v48 =	vmul.f32 $4.000000000e+00, v48;
	v55 =	vadd.f32 v17, v25;
	v15 =	vadd.f32 v51, v15  }
0xa8: {  	v51 =	vmul.f32 $3.000000000e+00, v44;
	v59 =	vadd.f32 v17, v47;
	v60 =	vmax.f32 v31, v13  }
0xa9: {  	v62 =	vmax.f32 v33, v19;
	v63 =	vmax.f32 v37, v39;
	v25 =	vadd.f32 v52, v25  }
0xaa: {  	v17 =	vadd.f32 v44, v17;
	v62 =	vmax.f32 v62, v63;
	v53 =	vadd.f32 v53, v44  }
0xab: {  	v63 =	vmax.f32 v23, v46;
	v56 =	vadd.f32 v21, v56;
	v43 =	vadd.f32 v43, v40  }
0xac: {  	v44 =	vmul.f32 $4.000000000e+00, v44;
	v57 =	vadd.f32 v51, v57;
	v55 =	vadd.f32 v55, v40  }
0xad: {  	v61 =	vmax.f32 v15, v27;
	v59 =	vadd.f32 v50, v59;
	v25 =	vadd.f32 v50, v25  }
0xae: {  	v17 =	vadd.f32 v21, v17;
	v60 =	vmax.f32 v61, v60;
	v61 =	vmax.f32 v9, v35  }
0xaf: {  	v61 =	vmax.f32 v61, v63;
	v63 =	vadd.f32 v52, v47;
	v45 =	vmax.f32 v45, v60  }
0xb0: {  	v60 =	vmul.f32 $3.000000000e+00, v40;
	v52 =	vadd.f32 v51, v52;
	v51 =	vadd.f32 v51, v47  }
0xb1: {  	v47 =	vmul.f32 $4.000000000e+00, v47;
	v61 =	vmax.f32 v62, v61;
	v62 =	vmul.f32 $4.000000000e+00, v40  }
0xb2: {  	v49 =	vadd.f32 v49, v60;
	v58 =	vadd.f32 v60, v58;
	v45 =	vmax.f32 v45, v61  }
0xb3: {  	v60 =	vadd.f32 v60, v63;
	v63 =	vadd.f32 v51, v21;
	v45 =	vmax.f32 v45, v29  }
0xb4: {  	v21 =	vadd.f32 v25, v21;
	v25 =	vadd.f32 v52, v40;
	vm0 =	veq.f32 v7, v45  }
0xb5: {  	vm1 =	veq.f32 v11, v45;
	vm2 =	veq.f32 v2, v45;
	vm3 =	veq.f32 v1, v45  }
0xb6: {  	vm4 =	veq.f32 v15, v45;
	vm5 =	veq.f32 v27, v45;
	vm6 =	veq.f32 v31, v45  }
0xb7: {  	vm7 =	veq.f32 v13, v45;
	vm8 =	veq.f32 v33, v45;
	vm9 =	veq.f32 v19, v45  }
0xb8: {  	vm10 =	veq.f32 v37, v45;
	vm11 =	veq.f32 v39, v45;
	vm12 =	veq.f32 v9, v45  }
0xb9: {  	vm13 =	veq.f32 v35, v45;
	vm14 =	veq.f32 v23, v45;
	vm15 =	veq.f32 v46, v45  }
0xba: {  	v1 =	vnsel vm0, $0x4E6E6B28, v47;
	v2 =	vnsel vm1, $0x4E6E6B28, v48;
	v7 =	vnsel vm2, $0x4E6E6B28, v44  }
0xbb: {  	s31 =	simm.s32 $0x40;
	s20 =	simm.s32 $0x10;
	v9 =	vnsel vm3, $0x4E6E6B28, v62;
	v11 =	vnsel vm4, $0x4E6E6B28, v21;
	v13 =	vnsel vm5, $0x4E6E6B28, v53  }
0xbc: {  	s19 =	sand.u32 $0x3E00, s31;
	s21 =	sand.u32 $0x70, s20;
	v15 =	vnsel vm6, $0x4E6E6B28, v56;
	v19 =	vnsel vm7, $0x4E6E6B28, v43;
	v21 =	vnsel vm8, $0x4E6E6B28, v55  }
0xbd: {  	s19 =	sor.u32 s21, s19;
	v23 =	vnsel vm9, $0x4E6E6B28, v57;
	v27 =	vnsel vm10, $0x4E6E6B28, v58;
	v31 =	vnsel vm11, $0x4E6E6B28, v59  }
0xbe: {  	v43 =	vnsel vm12, $0x4E6E6B28, v60;
	v44 =	vld [tilespmem:s19+$0x180];
	v46 =	vnsel vm13, $0x4E6E6B28, v63;
	v17 =	vnsel vm14, $0x4E6E6B28, v17  }
0xbf: {  	v25 =	vnsel vm15, $0x4E6E6B28, v25;
	v47 =	vld [tilespmem:s19+$0x100];
	vm11 =	veq.f32 v29, v45;
	v1 =	vmin.f32 v1, v2  }
0xc0: {  	v2 =	vmin.f32 v7, v9;
	v7 =	vmin.f32 v11, v13;
	v9 =	vld [tilespmem:s19+$0x0];
	v11 =	vmin.f32 v15, v19  }
0xc1: {  	v13 =	vmin.f32 v21, v23;
	v15 =	vmin.f32 v27, v31;
	v19 =	vld [tilespmem:s19+$0x80];
	v21 =	vmin.f32 v43, v46  }
0xc2: {  	v17 =	vmin.f32 v17, v25;
	v1 =	vmin.f32 v1, v2;
	v2 =	vmin.f32 v7, v11  }
0xc3: {  	v7 =	vmin.f32 v13, v15;
	v11 =	vmin.f32 v21, v17;
	v1 =	vmin.f32 v1, v2  }
0xc4: {  	v2 =	vmin.f32 v7, v11;
	v11 =	vnsel vm11, $0x4E6E6B28, v49;
	v7 =	vmul.f32 $6.553700000e+04, v44  }
0xc5: {  	v1 =	vmin.f32 v1, v2;
	v13 =	vmul.f32 $6.553700000e+04, v47;
	v2 =	vmul.f32 $6.553700000e+04, v9  }
0xc6: {  	v1 =	vmin.f32 v1, v11;
	v11 =	vmul.f32 $6.553700000e+04, v19;
	v15 =	vsub.f32 v44, v7  }
0xc7: {  	v1 =	vtrunc.f32 v1;
	v17 =	vsub.f32 v47, v13;
	v9 =	vsub.f32 v9, v2  }
0xc8: {  	v1 =	vcvt.f32.s32 v1;
	v19 =	vsub.f32 v19, v11;
	v7 =	vadd.f32 v15, v7  }
0xc9: {  	v2 =	vadd.f32 v9, v2;
	v9 =	vadd.f32 v17, v13  }
0xca: {  	v1 =	vadd.s32 $0xCD0, v1;
	v11 =	vadd.f32 v19, v11;
	vm12 =	vlt.f32 v7, $0.0e+00  }
0xcb: {  	v47 =	vand.u32 $0x7FFFFFFF, v7;
	vm13 =	vlt.f32 v2, $0.0e+00;
	vm14 =	vlt.f32 v9, $0.0e+00  }
0xcc: {  	v49 =	vand.u32 $0x7FFFFFFF, v2;
	v50 =	vand.u32 $0x7FFFFFFF, v11;
	vm15 =	vlt.f32 v11, $0.0e+00  }
0xcd: {  	v51 =	vand.u32 $0x7FFFFFFF, v9;
	v7 =	vmul.f32 $8.085937500e-01, v47;
	v27 =	vmul.f32 $5.000000000e-01, v47  }
0xce: {  	v44 =	vsel vm12, $0xBF800000, v0;
	v15 =	vmul.f32 $5.000000000e-01, v51;
	v11 =	vmul.f32 $3.085937500e-01, v50  }
0xcf: {  	v43 =	vsel vm13, $0xBF800000, v0;
	v13 =	vmul.f32 $8.085937500e-01, v50;
	v21 =	vmul.f32 $5.000000000e-01, v49  }
0xd0: {  	v17 =	vmul.f32 $5.000000000e-01, v50;
	v53 =	vadd.f32 v44, v44;
	v55 =	vmul.f32 $3.085937500e-01, v51;
	v46 =	vld.idx.msk [tilespmem:v1+s9+$0x0], $0xffff  }
0xd1: {  	v19 =	vmul.f32 $3.085937500e-01, v49;
	v48 =	vadd.f32 v15, v11;
	v59 =	vadd.f32 v13, v21  }
0xd2: {  	v39 =	vmul.f32 $8.085937500e-01, v51;
	v61 =	vadd.f32 v11, v21;
	v62 =	vadd.f32 v55, v21  }
0xd3: {  	v1 =	vmul.f32 $8.085937500e-01, v49;
	v63 =	vadd.f32 v13, v19;
	v3 =	vadd.f32 v17, v19  }
0xd4: {  	v52 =	vsel vm15, $0xBF800000, v0;
	v4 =	vadd.f32 v39, v19;
	v6 =	vadd.f32 v55, v13  }
0xd5: {  	v25 =	vmul.f32 $7.290000000e+02, v43;
	v8 =	vadd.f32 v39, v17;
	v23 =	vadd.f32 v17, v1  }
0xd6: {  	v19 =	vmul.f32 $8.100000000e+01, v52;
	v37 =	vadd.f32 v11, v1;
	v1 =	vadd.f32 v15, v1  }
0xd7: {  	v10 =	vmul.f32 $3.085937500e-01, v47;
	v17 =	vadd.f32 v17, v21;
	v31 =	vadd.f32 v25, v25  }
0xd8: {  	v45 =	vsel vm14, $0xBF800000, v0;
	v29 =	vadd.f32 v19, v19;
	v48 =	vadd.f32 v7, v48;
	v5 =	vld.idx.msk [tilespmem:v46+s11+$0x0], $0xffff  }
0xd9: {  	v11 =	vmul.f32 $9.000000000e+00, v45;
	v60 =	vadd.f32 v10, v59;
	v59 =	vadd.f32 v39, v61  }
0xda: {  	v2 =	vmax.f32 v49, v50;
	v61 =	vadd.f32 v15, v63;
	v63 =	vadd.f32 v27, v4  }
0xdb: {  	v13 =	vadd.f32 v11, v11;
	v56 =	vadd.f32 v55, v23;
	v33 =	vadd.s32 $0x1, v46  }
0xdc: {  	v9 =	vmax.f32 v51, v47;
	v57 =	vadd.f32 v27, v37;
	v58 =	vadd.f32 v10, v1  }
0xdd: {  	v23 =	vmax.f32 v2, v9;
	v2 =	vmul.f32 $3.000000000e+00, v25;
	v1 =	vmul.f32 v54, v5  }
0xde: {  	v21 =	vmul.f32 $3.000000000e+00, v44;
	v9 =	vadd.f32 v27, v6;
	v39 =	vadd.f32 v15, v17  }
0xdf: {  	v55 =	vmul.f32 $4.000000000e+00, v44;
	v37 =	vadd.f32 v13, v19;
	v35 =	vadd.f32 v19, v2;
	[tilespmem:s18+$0x8050] =	vst v1  }
0xe0: {  	v54 =	vadd.f32 v7, v62;
	v62 =	vadd.f32 v7, v3;
	v1 =	vmul.f32 $3.000000000e+00, v19;
	v17 =	vld.idx.msk [tilespmem:v33+s11+$0x0], $0xffff  }
0xe1: {  	s21 =	simm.s32 $0x80;
	v15 =	vmul.f32 $4.000000000e+00, v25;
	v7 =	vadd.f32 v10, v8;
	v33 =	vadd.f32 v29, v2  }
.LBB2_2:
0xe2: {  	p0 =	sne.s32 s21, $0x3FC0;
	v3 =	vmul.f32 $3.000000000e+00, v11;
	v2 =	vadd.f32 v13, v2;
	v4 =	vadd.f32 v1, v31  }
0xe3: {  	v5 =	vadd.f32 v19, v31;
	v6 =	vadd.f32 v11, v31;
	v8 =	vadd.s32 $0x2, v46  }
0xe4: {  	v10 =	vmul.f32 $4.000000000e+00, v19;
	v19 =	vadd.f32 v1, v25;
	v12 =	vadd.f32 v29, v25  }
0xe5: {  	v1 =	vadd.f32 v11, v1;
	v25 =	vadd.f32 v3, v25;
	v17 =	vmul.f32 v17, v42;
	v42 =	vmovc v52  }
0xe6: {  	v31 =	vadd.f32 v29, v31;
	v52 =	vmul.f32 $4.000000000e+00, v11;
	v29 =	vadd.f32 v3, v29  }
0xe7: {  	v27 =	vadd.f32 v27, v39;
	v37 =	vadd.f32 v37, v21;
	v39 =	vmax.f32 v57, v58;
	[tilespmem:s18+$0x80D0] =	vst v17  }
0xe8: {  	v11 =	vadd.f32 v33, v11;
	v33 =	vmax.f32 v60, v59;
	v17 =	vadd.f32 v53, v35;
	v8 =	vld.idx.msk [tilespmem:v8+s11+$0x0], $0xffff  }
0xe9: {  	v2 =	vadd.f32 v2, v44;
	v4 =	vadd.f32 v4, v44;
	v35 =	vmax.f32 v54, v61  }
0xea: {  	v3 =	vadd.f32 v3, v5;
	v5 =	vadd.f32 v21, v6;
	v6 =	vmax.f32 v62, v63  }
0xeb: {  	v19 =	vadd.f32 v13, v19;
	v12 =	vadd.f32 v21, v12;
	v21 =	vmax.f32 v9, v7  }
0xec: {  	v46 =	vadd.s32 $0x3, v46;
	v13 =	vadd.f32 v13, v31;
	v31 =	vmax.f32 v27, v56  }
0xed: {  	v31 =	vmax.f32 v31, v39;
	v6 =	vmax.f32 v6, v21;
	v33 =	vmax.f32 v33, v35  }
0xee: {  	v21 =	vmax.f32 v23, v31;
	v6 =	vmax.f32 v33, v6;
	v8 =	vmul.f32 v8, v41;
	v41 =	vmovc v45  }
0xef: {  	v1 =	vadd.f32 v53, v1;
	v23 =	vadd.f32 v25, v53;
	v6 =	vmax.f32 v21, v6  }
0xf0: {  	v13 =	vadd.f32 v13, v53;
	v21 =	vadd.f32 v29, v44;
	v6 =	vmax.f32 v6, v48;
	[tilespmem:s18+$0x8150] =	vst v8  }
0xf1: {  	vm0 =	veq.f32 v49, v6;
	vm1 =	veq.f32 v50, v6;
	vm2 =	veq.f32 v51, v6;
	v8 =	vld.idx.msk [tilespmem:v46+s11+$0x0], $0xffff  }
0xf2: {  	vm3 =	veq.f32 v47, v6;
	vm4 =	veq.f32 v27, v6;
	vm5 =	veq.f32 v56, v6  }
0xf3: {  	vm6 =	veq.f32 v57, v6;
	vm7 =	veq.f32 v58, v6;
	vm8 =	veq.f32 v60, v6  }
0xf4: {  	vm9 =	veq.f32 v59, v6;
	vm10 =	veq.f32 v54, v6;
	vm11 =	veq.f32 v61, v6  }
0xf5: {  	vm12 =	veq.f32 v62, v6;
	vm13 =	veq.f32 v63, v6;
	vm14 =	veq.f32 v9, v6  }
0xf6: {  	v9 =	vnsel vm0, $0x4E6E6B28, v15;
	v10 =	vnsel vm1, $0x4E6E6B28, v10;
	vm0 =	veq.f32 v7, v6  }
0xf7: {  	v7 =	vnsel vm2, $0x4E6E6B28, v52;
	v15 =	vnsel vm3, $0x4E6E6B28, v55;
	v8 =	vmul.f32 v8, v40;
	v40 =	vmovc v44  }
0xf8: {  	s20 =	sadd.s32 $0x10, s20;
	v13 =	vnsel vm4, $0x4E6E6B28, v13;
	v11 =	vnsel vm5, $0x4E6E6B28, v11;
	v17 =	vnsel vm6, $0x4E6E6B28, v17  }
0xf9: {  	s22 =	sand.u32 $0x3E00, s21;
	s23 =	sand.u32 $0x70, s20;
	v2 =	vnsel vm7, $0x4E6E6B28, v2;
	v4 =	vnsel vm8, $0x4E6E6B28, v4;
	v3 =	vnsel vm9, $0x4E6E6B28, v3;
	[tilespmem:s18+$0x81D0] =	vst v8;
	s18 =	smov.u32 s19  }
0xfa: {  	v5 =	vnsel vm10, $0x4E6E6B28, v5;
	v12 =	vnsel vm12, $0x4E6E6B28, v12;
	s19 =	sor.u32 s23, s22;
	v8 =	vnsel vm11, $0x4E6E6B28, v19  }
0xfb: {  	v23 =	vnsel vm13, $0x4E6E6B28, v23;
	v1 =	vnsel vm14, $0x4E6E6B28, v1;
	v21 =	vnsel vm0, $0x4E6E6B28, v21;
	v19 =	vld [tilespmem:s19+$0x180]  }
0xfc: {  	v9 =	vmin.f32 v9, v10;
	v7 =	vmin.f32 v7, v15;
	v10 =	vmin.f32 v13, v11;
	v25 =	vld [tilespmem:s19+$0x100]  }
0xfd: {  	v2 =	vmin.f32 v17, v2;
	v3 =	vmin.f32 v4, v3;
	v4 =	vmin.f32 v5, v8;
	v11 =	vld [tilespmem:s19+$0x0]  }
0xfe: {  	v1 =	vmin.f32 v1, v21;
	v7 =	vmin.f32 v9, v7;
	v8 =	vmin.f32 v12, v23;
	v5 =	vld [tilespmem:s19+$0x80]  }
0xff: {  	v2 =	vmin.f32 v10, v2;
	v3 =	vmin.f32 v3, v4;
	v1 =	vmin.f32 v8, v1  }
0x100: {  	vm0 =	veq.f32 v48, v6;
	v2 =	vmin.f32 v7, v2;
	v1 =	vmin.f32 v3, v1  }
0x101: {  	v4 =	vnsel vm0, $0x4E6E6B28, v37;
	v1 =	vmin.f32 v2, v1;
	v3 =	vmul.f32 $6.553700000e+04, v19  }
0x102: {  	v1 =	vmin.f32 v1, v4;
	v6 =	vmul.f32 $6.553700000e+04, v25;
	v2 =	vmul.f32 $6.553700000e+04, v11  }
0x103: {  	v1 =	vtrunc.f32 v1;
	v7 =	vsub.f32 v19, v3;
	v4 =	vmul.f32 $6.553700000e+04, v5  }
0x104: {  	v1 =	vcvt.f32.s32 v1;
	v9 =	vsub.f32 v25, v6;
	v8 =	vsub.f32 v11, v2  }
0x105: {  	v3 =	vadd.f32 v7, v3;
	v5 =	vsub.f32 v5, v4  }
0x106: {  	v1 =	vadd.s32 $0xCD0, v1;
	v6 =	vadd.f32 v9, v6;
	v2 =	vadd.f32 v8, v2  }
0x107: {  	vm0 =	vlt.f32 v3, $0.0e+00;
	v4 =	vadd.f32 v5, v4  }
0x108: {  	v47 =	vand.u32 $0x7FFFFFFF, v3;
	vm2 =	vlt.f32 v6, $0.0e+00;
	vm1 =	vlt.f32 v2, $0.0e+00  }
0x109: {  	v49 =	vand.u32 $0x7FFFFFFF, v2;
	v50 =	vand.u32 $0x7FFFFFFF, v4;
	vm3 =	vlt.f32 v4, $0.0e+00  }
0x10a: {  	v51 =	vand.u32 $0x7FFFFFFF, v6;
	v44 =	vsel vm0, $0xBF800000, v0;
	v2 =	vmax.f32 v49, v50  }
0x10b: {  	v3 =	vmul.f32 $8.085937500e-01, v47;
	v45 =	vsel vm2, $0xBF800000, v0;
	v4 =	vmax.f32 v51, v47;
	v46 =	vld.idx.msk [tilespmem:v1+s9+$0x0], $0xffff  }
0x10c: {  	v6 =	vmul.f32 $5.000000000e-01, v51;
	v5 =	vmul.f32 $8.085937500e-01, v49;
	v1 =	vsel vm1, $0xBF800000, v0  }
0x10d: {  	v52 =	vsel vm3, $0xBF800000, v0;
	v7 =	vmul.f32 $5.000000000e-01, v50;
	v8 =	vmul.f32 $3.085937500e-01, v50  }
0x10e: {  	v53 =	vadd.f32 v44, v44;
	v10 =	vmul.f32 $3.085937500e-01, v49;
	v9 =	vmul.f32 $8.085937500e-01, v50  }
0x10f: {  	v12 =	vmul.f32 $5.000000000e-01, v49;
	v15 =	vadd.f32 v7, v5;
	v17 =	vadd.f32 v6, v8  }
0x110: {  	v21 =	vmul.f32 $3.085937500e-01, v51;
	v23 =	vadd.f32 v8, v5;
	v5 =	vadd.f32 v6, v5  }
0x111: {  	v33 =	vmul.f32 $8.085937500e-01, v51;
	v35 =	vadd.f32 v9, v12;
	v8 =	vadd.f32 v8, v12  }
0x112: {  	v11 =	vmul.f32 $9.000000000e+00, v45;
	v37 =	vadd.f32 v21, v12;
	v39 =	vadd.f32 v9, v10  }
0x113: {  	v25 =	vmul.f32 $7.290000000e+02, v1;
	v62 =	vadd.f32 v7, v10;
	v10 =	vadd.f32 v33, v10;
	v54 =	vld.idx.msk [tilespmem:v46+s11+$0x0], $0xffff  }
0x114: {  	v19 =	vmul.f32 $8.100000000e+01, v52;
	v9 =	vadd.f32 v21, v9;
	v14 =	vadd.f32 v33, v7  }
0x115: {  	v27 =	vmul.f32 $5.000000000e-01, v47;
	v13 =	vadd.f32 v11, v11;
	v12 =	vadd.f32 v7, v12  }
0x116: {  	v7 =	vmul.f32 $3.085937500e-01, v47;
	v29 =	vadd.f32 v19, v19;
	v31 =	vadd.f32 v25, v25  }
0x117: {  	v56 =	vadd.f32 v21, v15;
	v48 =	vadd.f32 v3, v17;
	v15 =	vadd.s32 $0x1, v46  }
0x118: {  	v55 =	vmul.f32 $4.000000000e+00, v44;
	v57 =	vadd.f32 v27, v23;
	v58 =	vadd.f32 v7, v5  }
0x119: {  	v60 =	vadd.f32 v7, v35;
	v59 =	vadd.f32 v33, v8;
	v5 =	vmul.f32 v43, v54;
	v43 =	vmovc v1  }
.Ltmp0:
0x11a: {  	v21 =	vmul.f32 $3.000000000e+00, v44;
	v61 =	vadd.f32 v6, v39;
	v54 =	vadd.f32 v3, v37;
	(pc) =	sbr.rel @p0 .LBB2_2-.Ltmp0, $4  }
0x11b: {  	v62 =	vadd.f32 v3, v62;
	v63 =	vadd.f32 v27, v10;
	v23 =	vmax.f32 v2, v4;
	[tilespmem:s18+$0x8050] =	vst v5  }
0x11c: {  	v2 =	vmul.f32 $3.000000000e+00, v25;
	v9 =	vadd.f32 v27, v9;
	v7 =	vadd.f32 v7, v14;
	v17 =	vld.idx.msk [tilespmem:v15+s11+$0x0], $0xffff  }
0x11d: {  	v39 =	vadd.f32 v6, v12;
	v1 =	vmul.f32 $3.000000000e+00, v19;
	v37 =	vadd.f32 v13, v19  }
0x11e: {  	s21 =	sadd.s32 $0x40, s21;
	v33 =	vadd.f32 v29, v2;
	v35 =	vadd.f32 v19, v2;
	v15 =	vmul.f32 $4.000000000e+00, v25  }
0x11f: {  	v2 =	vadd.f32 v13, v2;
	v3 =	vadd.f32 v1, v31  }
0x120: {  	v5 =	vadd.f32 v19, v31;
	v6 =	vadd.f32 v11, v31  }
0x121: {  	v4 =	vmul.f32 $3.000000000e+00, v11;
	v8 =	vadd.f32 v1, v25;
	v10 =	vadd.f32 v29, v25  }
0x122: {  	v1 =	vadd.f32 v11, v1;
	v14 =	vadd.f32 v29, v31;
	v31 =	vmax.f32 v57, v58  }
0x123: {  	v19 =	vmul.f32 $4.000000000e+00, v19;
	v33 =	vadd.f32 v33, v11;
	v35 =	vadd.f32 v53, v35  }
0x124: {  	v11 =	vmul.f32 $4.000000000e+00, v11;
	v12 =	vadd.f32 v4, v25;
	v25 =	vadd.f32 v27, v39  }
0x125: {  	v27 =	vadd.f32 v4, v29;
	v29 =	vadd.f32 v37, v21;
	v37 =	vmax.f32 v60, v59  }
0x126: {  	v4 =	vadd.f32 v4, v5;
	v5 =	vmax.f32 v54, v61;
	v2 =	vadd.f32 v2, v44  }
0x127: {  	v3 =	vadd.f32 v3, v44;
	v5 =	vmax.f32 v37, v5;
	v39 =	vmax.f32 v25, v56  }
0x128: {  	v37 =	vmax.f32 v9, v7;
	v31 =	vmax.f32 v39, v31;
	v39 =	vmax.f32 v62, v63  }
0x129: {  	v6 =	vadd.f32 v21, v6;
	v8 =	vadd.f32 v13, v8;
	v37 =	vmax.f32 v39, v37  }
0x12a: {  	v13 =	vadd.f32 v13, v14;
	v14 =	vmax.f32 v23, v31;
	v5 =	vmax.f32 v5, v37  }
0x12b: {  	v10 =	vadd.f32 v21, v10;
	v1 =	vadd.f32 v53, v1;
	v5 =	vmax.f32 v14, v5  }
0x12c: {  	v12 =	vadd.f32 v12, v53;
	v13 =	vadd.f32 v13, v53;
	v5 =	vmax.f32 v5, v48  }
0x12d: {  	v14 =	vadd.f32 v27, v44;
	vm0 =	veq.f32 v49, v5;
	vm1 =	veq.f32 v50, v5  }
0x12e: {  	vm2 =	veq.f32 v51, v5;
	vm3 =	veq.f32 v47, v5;
	vm4 =	veq.f32 v25, v5  }
0x12f: {  	vm5 =	veq.f32 v56, v5;
	vm6 =	veq.f32 v57, v5;
	vm7 =	veq.f32 v58, v5  }
0x130: {  	vm8 =	veq.f32 v60, v5;
	vm9 =	veq.f32 v59, v5;
	vm10 =	veq.f32 v54, v5  }
0x131: {  	vm11 =	veq.f32 v61, v5;
	vm12 =	veq.f32 v62, v5;
	vm13 =	veq.f32 v63, v5  }
0x132: {  	vm14 =	veq.f32 v9, v5;
	vm15 =	veq.f32 v7, v5;
	v9 =	vnsel vm0, $0x4E6E6B28, v15  }
0x133: {  	v15 =	vnsel vm1, $0x4E6E6B28, v19;
	v7 =	vnsel vm2, $0x4E6E6B28, v11;
	v11 =	vnsel vm3, $0x4E6E6B28, v55  }
0x134: {  	v13 =	vnsel vm4, $0x4E6E6B28, v13;
	v19 =	vnsel vm5, $0x4E6E6B28, v33;
	v21 =	vnsel vm6, $0x4E6E6B28, v35  }
0x135: {  	v2 =	vnsel vm7, $0x4E6E6B28, v2;
	v3 =	vnsel vm8, $0x4E6E6B28, v3;
	v4 =	vnsel vm9, $0x4E6E6B28, v4  }
0x136: {  	v6 =	vnsel vm10, $0x4E6E6B28, v6;
	v8 =	vnsel vm11, $0x4E6E6B28, v8;
	v10 =	vnsel vm12, $0x4E6E6B28, v10  }
0x137: {  	v12 =	vnsel vm13, $0x4E6E6B28, v12;
	v1 =	vnsel vm14, $0x4E6E6B28, v1;
	v14 =	vnsel vm15, $0x4E6E6B28, v14  }
0x138: {  	v9 =	vmin.f32 v9, v15;
	v7 =	vmin.f32 v7, v11;
	v11 =	vmin.f32 v13, v19  }
0x139: {  	v2 =	vmin.f32 v21, v2;
	v3 =	vmin.f32 v3, v4;
	v4 =	vmin.f32 v6, v8  }
0x13a: {  	v6 =	vmin.f32 v10, v12;
	v1 =	vmin.f32 v1, v14;
	v7 =	vmin.f32 v9, v7  }
0x13b: {  	v2 =	vmin.f32 v11, v2;
	v3 =	vmin.f32 v3, v4;
	v1 =	vmin.f32 v6, v1  }
0x13c: {  	vm10 =	veq.f32 v48, v5;
	v2 =	vmin.f32 v7, v2;
	v1 =	vmin.f32 v3, v1  }
0x13d: {  	v3 =	vnsel vm10, $0x4E6E6B28, v29;
	v1 =	vmin.f32 v2, v1  }
0x13e: {  	v1 =	vmin.f32 v1, v3  }
0x13f: {  	v1 =	vtrunc.f32 v1  }
0x140: {  	v1 =	vcvt.f32.s32 v1;
	_ =	sdelay $0x1  }
0x141: {  	v1 =	vadd.s32 $0xCD0, v1;
	_ =	sdelay $0x4  }
0x142: {  	v1 =	vld.idx.msk [tilespmem:v1+s9+$0x0], $0xffff;
	_ =	sdelay $0x7  }
0x143: {  	v2 =	vld.idx.msk [tilespmem:v1+s11+$0x0], $0xffff;
	_ =	sdelay $0x2  }
0x144: {  	v3 =	vadd.s32 $0x1, v1;
	_ =	sdelay $0x1  }
0x145: {  	v2 =	vmul.f32 v43, v2;
	_ =	sdelay $0x1  }
0x146: {  	[tilespmem:s19+$0x8050] =	vst v2  }
0x147: {  	v2 =	vld.idx.msk [tilespmem:v3+s11+$0x0], $0xffff;
	_ =	sdelay $0x1  }
0x148: {  	v3 =	vadd.s32 $0x2, v46  }
0x149: {  	v4 =	vadd.s32 $0x2, v1  }
0x14a: {  	v5 =	vmul.f32 v17, v42  }
0x14b: {  	v2 =	vmul.f32 v2, v52  }
0x14c: {  	[tilespmem:s18+$0x80D0] =	vst v5  }
0x14d: {  	v3 =	vld.idx.msk [tilespmem:v3+s11+$0x0], $0xffff;
	[tilespmem:s19+$0x80D0] =	vst v2  }
0x14e: {  	v2 =	vld.idx.msk [tilespmem:v4+s11+$0x0], $0xffff;
	_ =	sdelay $0x1  }
0x14f: {  	v4 =	vadd.s32 $0x3, v46  }
0x150: {  	v1 =	vadd.s32 $0x3, v1  }
0x151: {  	v3 =	vmul.f32 v3, v41  }
0x152: {  	v2 =	vmul.f32 v2, v45  }
0x153: {  	[tilespmem:s18+$0x8150] =	vst v3  }
0x154: {  	v3 =	vld.idx.msk [tilespmem:v4+s11+$0x0], $0xffff;
	[tilespmem:s19+$0x8150] =	vst v2  }
0x155: {  	v1 =	vld.idx.msk [tilespmem:v1+s11+$0x0], $0xffff;
	_ =	sdelay $0x3  }
0x156: {  	v2 =	vmul.f32 v3, v40  }
0x157: {  	v1 =	vmul.f32 v1, v44  }
0x158: {  	[tilespmem:s18+$0x81D0] =	vst v2  }
0x159: {  	[tilespmem:s19+$0x81D0] =	vst v1  }
0x15a: {  	[hbm4b:s5+s2] =	stream.linear.scatter [tilespmem:s12], [sflag:$0x3], $0x4000, $0x38;
	[tilespmem:$0x119F8] =	vst v63  }
0x15b: {  	s29 =	simm.s32 $0x4000;
	s30 =	simm.s32 $0x1000;
	_ =	swait.ge [sflag:s13], $0x4000  }
0x15c: {  	s18 =	sand.u32 $0x7E00, s29;
	s19 =	sand.u32 $0x70, s30;
	[sflag:s13] =	ssyncset.done $0x0  }
0x15d: {  	s18 =	sor.u32 s19, s18;
	[sflag:s13] =	ssyncadd.s32 $0xFFFFC000  }
0x15e: {  	v1 =	vld [tilespmem:s18+$0x180]  }
0x15f: {  	v2 =	vld [tilespmem:s18+$0x100]  }
0x160: {  	v3 =	vld [tilespmem:s18+$0x0]  }
0x161: {  	v4 =	vld [tilespmem:s18+$0x80];
	_ =	sdelay $0x2  }
0x162: {  	v5 =	vmul.f32 $6.553700000e+04, v1  }
0x163: {  	v6 =	vmul.f32 $6.553700000e+04, v3;
	v7 =	vmul.f32 $6.553700000e+04, v2  }
0x164: {  	v8 =	vmul.f32 $6.553700000e+04, v4;
	v1 =	vsub.f32 v1, v5  }
0x165: {  	v3 =	vsub.f32 v3, v6;
	v2 =	vsub.f32 v2, v7  }
0x166: {  	v4 =	vsub.f32 v4, v8;
	v1 =	vadd.f32 v1, v5  }
0x167: {  	v3 =	vadd.f32 v3, v6;
	v2 =	vadd.f32 v2, v7  }
0x168: {  	v4 =	vadd.f32 v4, v8;
	vm11 =	vlt.f32 v1, $0.0e+00;
	v1 =	vand.u32 $0x7FFFFFFF, v1  }
0x169: {  	vm12 =	vlt.f32 v3, $0.0e+00;
	vm13 =	vlt.f32 v2, $0.0e+00;
	v3 =	vand.u32 $0x7FFFFFFF, v3  }
0x16a: {  	v5 =	vand.u32 $0x7FFFFFFF, v4;
	vm14 =	vlt.f32 v4, $0.0e+00;
	v2 =	vand.u32 $0x7FFFFFFF, v2  }
0x16b: {  	v40 =	vsel vm11, $0xBF800000, v0;
	v41 =	vsel vm13, $0xBF800000, v0;
	v4 =	vmul.f32 $8.085937500e-01, v1  }
0x16c: {  	v54 =	vsel vm12, $0xBF800000, v0;
	v6 =	vmul.f32 $8.085937500e-01, v3;
	v7 =	vmul.f32 $5.000000000e-01, v2  }
0x16d: {  	v42 =	vsel vm14, $0xBF800000, v0;
	v8 =	vmul.f32 $5.000000000e-01, v5;
	v9 =	vmul.f32 $3.085937500e-01, v5  }
0x16e: {  	v11 =	vmul.f32 $8.085937500e-01, v5;
	v12 =	vmul.f32 $3.085937500e-01, v3;
	v10 =	vadd.f32 v40, v40  }
0x16f: {  	v13 =	vmul.f32 $5.000000000e-01, v3;
	v14 =	vadd.f32 v8, v6;
	v15 =	vadd.f32 v7, v9  }
0x170: {  	v17 =	vmul.f32 $3.085937500e-01, v2;
	v19 =	vadd.f32 v9, v6;
	v6 =	vadd.f32 v7, v6  }
0x171: {  	v21 =	vmul.f32 $8.085937500e-01, v2;
	v23 =	vadd.f32 v11, v13;
	v9 =	vadd.f32 v9, v13  }
0x172: {  	v25 =	vmul.f32 $9.000000000e+00, v41;
	v27 =	vadd.f32 v17, v13;
	v29 =	vadd.f32 v11, v12  }
0x173: {  	v31 =	vmul.f32 $7.290000000e+02, v54;
	v57 =	vadd.f32 v8, v12;
	v12 =	vadd.f32 v21, v12  }
0x174: {  	v35 =	vmul.f32 $8.100000000e+01, v42;
	v11 =	vadd.f32 v17, v11;
	v58 =	vadd.f32 v21, v8  }
0x175: {  	v43 =	vmul.f32 $5.000000000e-01, v1;
	v8 =	vadd.f32 v8, v13;
	v39 =	vadd.f32 v25, v25  }
0x176: {  	v59 =	vmul.f32 $3.085937500e-01, v1;
	v13 =	vadd.f32 v31, v31;
	v44 =	vadd.f32 v35, v35  }
0x177: {  	v14 =	vadd.f32 v17, v14;
	v15 =	vadd.f32 v4, v15  }
0x178: {  	v17 =	vadd.f32 v43, v19;
	v6 =	vadd.f32 v59, v6  }
0x179: {  	v46 =	vmul.f32 $4.000000000e+00, v40;
	v19 =	vadd.f32 v59, v23;
	v9 =	vadd.f32 v21, v9  }
0x17a: {  	v49 =	vmul.f32 $3.000000000e+00, v40;
	v23 =	vadd.f32 v4, v27;
	v27 =	vadd.f32 v7, v29  }
0x17b: {  	v60 =	vmul.f32 $3.000000000e+00, v31;
	v4 =	vadd.f32 v4, v57;
	v12 =	vadd.f32 v43, v12  }
0x17c: {  	v45 =	vmul.f32 $3.000000000e+00, v35;
	v11 =	vadd.f32 v43, v11;
	v37 =	vadd.f32 v59, v58  }
0x17d: {  	v62 =	vmul.f32 $3.000000000e+00, v25;
	v7 =	vadd.f32 v7, v8;
	v8 =	vadd.f32 v39, v35  }
0x17e: {  	v56 =	vmul.f32 $4.000000000e+00, v31;
	v47 =	vadd.f32 v44, v60;
	v48 =	vadd.f32 v35, v60  }
0x17f: {  	v21 =	vmax.f32 v3, v5;
	v33 =	vadd.f32 v39, v60;
	v61 =	vadd.f32 v45, v13  }
0x180: {  	v29 =	vmax.f32 v2, v1;
	v63 =	vadd.f32 v35, v13;
	v60 =	vadd.f32 v25, v13  }
0x181: {  	v21 =	vmax.f32 v21, v29;
	v29 =	vadd.f32 v45, v31;
	v55 =	vadd.f32 v44, v31  }
0x182: {  	v57 =	vmul.f32 $4.000000000e+00, v25;
	v31 =	vadd.f32 v62, v31;
	v45 =	vadd.f32 v25, v45  }
0x183: {  	v35 =	vmul.f32 $4.000000000e+00, v35;
	v13 =	vadd.f32 v44, v13;
	v44 =	vadd.f32 v62, v44  }
0x184: {  	v7 =	vadd.f32 v43, v7;
	v43 =	vmax.f32 v17, v6;
	v58 =	vmax.f32 v23, v27  }
0x185: {  	v53 =	vmax.f32 v4, v12;
	v8 =	vadd.f32 v8, v49;
	v25 =	vadd.f32 v47, v25  }
0x186: {  	v59 =	vmax.f32 v11, v37;
	v47 =	vadd.f32 v10, v48;
	v33 =	vadd.f32 v33, v40  }
0x187: {  	v48 =	vmax.f32 v19, v9;
	v50 =	vadd.f32 v61, v40;
	v51 =	vadd.f32 v62, v63  }
0x188: {  	v52 =	vadd.f32 v49, v60;
	v53 =	vmax.f32 v53, v59;
	v60 =	vmax.f32 v7, v14  }
0x189: {  	v29 =	vadd.f32 v39, v29;
	v48 =	vmax.f32 v48, v58;
	v43 =	vmax.f32 v60, v43  }
0x18a: {  	v13 =	vadd.f32 v39, v13;
	v61 =	vmax.f32 v48, v53;
	v21 =	vmax.f32 v21, v43  }
0x18b: {  	v62 =	vadd.f32 v49, v55;
	v31 =	vadd.f32 v31, v10;
	v21 =	vmax.f32 v21, v61  }
0x18c: {  	v63 =	vadd.f32 v10, v45;
	v10 =	vadd.f32 v13, v10;
	v21 =	vmax.f32 v21, v15  }
0x18d: {  	v13 =	vadd.f32 v44, v40;
	vm0 =	veq.f32 v3, v21;
	vm1 =	veq.f32 v5, v21  }
0x18e: {  	vm2 =	veq.f32 v2, v21;
	vm3 =	veq.f32 v1, v21;
	vm4 =	veq.f32 v7, v21  }
0x18f: {  	vm5 =	veq.f32 v14, v21;
	vm6 =	veq.f32 v17, v21;
	vm7 =	veq.f32 v6, v21  }
0x190: {  	vm8 =	veq.f32 v19, v21;
	vm9 =	veq.f32 v9, v21;
	vm10 =	veq.f32 v23, v21  }
0x191: {  	vm11 =	veq.f32 v27, v21;
	vm12 =	veq.f32 v4, v21;
	vm13 =	veq.f32 v12, v21  }
0x192: {  	vm14 =	veq.f32 v11, v21;
	vm15 =	veq.f32 v37, v21;
	v1 =	vnsel vm0, $0x4E6E6B28, v56  }
0x193: {  	v2 =	vnsel vm1, $0x4E6E6B28, v35;
	v3 =	vnsel vm2, $0x4E6E6B28, v57;
	v4 =	vnsel vm3, $0x4E6E6B28, v46  }
0x194: {  	v5 =	vnsel vm4, $0x4E6E6B28, v10;
	v6 =	vnsel vm5, $0x4E6E6B28, v25;
	v7 =	vnsel vm6, $0x4E6E6B28, v47  }
0x195: {  	s31 =	simm.s32 $0x4040;
	s20 =	simm.s32 $0x1010;
	v9 =	vnsel vm7, $0x4E6E6B28, v33;
	v10 =	vnsel vm8, $0x4E6E6B28, v50;
	v11 =	vnsel vm9, $0x4E6E6B28, v51  }
0x196: {  	s21 =	sand.u32 $0x70, s20;
	s19 =	sand.u32 $0x7E00, s31;
	v12 =	vnsel vm10, $0x4E6E6B28, v52;
	v14 =	vnsel vm11, $0x4E6E6B28, v29;
	v17 =	vnsel vm12, $0x4E6E6B28, v62  }
0x197: {  	s19 =	sor.u32 s21, s19;
	v23 =	vnsel vm13, $0x4E6E6B28, v31;
	v25 =	vnsel vm14, $0x4E6E6B28, v63;
	v13 =	vnsel vm15, $0x4E6E6B28, v13  }
0x198: {  	v19 =	vld [tilespmem:s19+$0x180];
	v1 =	vmin.f32 v1, v2;
	v2 =	vmin.f32 v3, v4;
	v3 =	vmin.f32 v5, v6  }
0x199: {  	v4 =	vld [tilespmem:s19+$0x0];
	v5 =	vmin.f32 v7, v9;
	v6 =	vmin.f32 v10, v11;
	v7 =	vmin.f32 v12, v14  }
0x19a: {  	v27 =	vld [tilespmem:s19+$0x100];
	v10 =	vmin.f32 v17, v23;
	v11 =	vmin.f32 v25, v13;
	v1 =	vmin.f32 v1, v2  }
0x19b: {  	v9 =	vld [tilespmem:s19+$0x80];
	v2 =	vmin.f32 v3, v5;
	v3 =	vmin.f32 v6, v7;
	v5 =	vmin.f32 v10, v11  }
0x19c: {  	vm11 =	veq.f32 v15, v21;
	v1 =	vmin.f32 v1, v2;
	v2 =	vmin.f32 v3, v5  }
0x19d: {  	v5 =	vnsel vm11, $0x4E6E6B28, v8;
	v3 =	vmul.f32 $6.553700000e+04, v19;
	v1 =	vmin.f32 v1, v2  }
0x19e: {  	v1 =	vmin.f32 v1, v5;
	v2 =	vmul.f32 $6.553700000e+04, v4  }
0x19f: {  	v6 =	vmul.f32 $6.553700000e+04, v27;
	v7 =	vsub.f32 v19, v3;
	v1 =	vtrunc.f32 v1  }
0x1a0: {  	v5 =	vmul.f32 $6.553700000e+04, v9;
	v1 =	vcvt.f32.s32 v1;
	v4 =	vsub.f32 v4, v2  }
0x1a1: {  	v8 =	vsub.f32 v27, v6;
	v3 =	vadd.f32 v7, v3  }
0x1a2: {  	v9 =	vsub.f32 v9, v5;
	v1 =	vadd.s32 $0xCD0, v1;
	v2 =	vadd.f32 v4, v2  }
0x1a3: {  	v4 =	vadd.f32 v8, v6;
	vm12 =	vlt.f32 v3, $0.0e+00;
	v47 =	vand.u32 $0x7FFFFFFF, v3  }
0x1a4: {  	v5 =	vadd.f32 v9, v5;
	v44 =	vsel vm12, $0xBF800000, v0;
	v3 =	vmul.f32 $8.085937500e-01, v47  }
0x1a5: {  	v27 =	vmul.f32 $5.000000000e-01, v47;
	vm13 =	vlt.f32 v2, $0.0e+00;
	vm14 =	vlt.f32 v4, $0.0e+00  }
0x1a6: {  	v49 =	vand.u32 $0x7FFFFFFF, v2;
	v50 =	vand.u32 $0x7FFFFFFF, v5;
	v51 =	vand.u32 $0x7FFFFFFF, v4  }
0x1a7: {  	vm15 =	vlt.f32 v5, $0.0e+00;
	v53 =	vadd.f32 v44, v44;
	v5 =	vmul.f32 $5.000000000e-01, v51  }
0x1a8: {  	v45 =	vsel vm14, $0xBF800000, v0;
	v7 =	vmul.f32 $3.085937500e-01, v50;
	v8 =	vmul.f32 $8.085937500e-01, v50  }
0x1a9: {  	v43 =	vsel vm13, $0xBF800000, v0;
	v10 =	vmul.f32 $5.000000000e-01, v49;
	v15 =	vmul.f32 $3.085937500e-01, v51;
	v46 =	vld.idx.msk [tilespmem:v1+s9+$0x0], $0xffff  }
0x1aa: {  	v6 =	vmul.f32 $5.000000000e-01, v50;
	v9 =	vmul.f32 $3.085937500e-01, v49;
	v14 =	vadd.f32 v5, v7  }
0x1ab: {  	v21 =	vmul.f32 $8.085937500e-01, v51;
	v23 =	vadd.f32 v8, v10;
	v33 =	vadd.f32 v15, v10  }
0x1ac: {  	v1 =	vmul.f32 $8.085937500e-01, v49;
	v35 =	vadd.f32 v8, v9;
	v37 =	vadd.f32 v6, v9  }
0x1ad: {  	v52 =	vsel vm15, $0xBF800000, v0;
	v9 =	vadd.f32 v21, v9;
	v8 =	vadd.f32 v15, v8  }
0x1ae: {  	v11 =	vmul.f32 $9.000000000e+00, v45;
	v16 =	vadd.f32 v21, v6;
	v12 =	vadd.f32 v6, v1  }
0x1af: {  	v25 =	vmul.f32 $7.290000000e+02, v43;
	v17 =	vadd.f32 v7, v1;
	v1 =	vadd.f32 v5, v1  }
0x1b0: {  	v19 =	vmul.f32 $8.100000000e+01, v52;
	v7 =	vadd.f32 v7, v10;
	v13 =	vadd.f32 v11, v11  }
0x1b1: {  	v55 =	vmul.f32 $4.000000000e+00, v44;
	v6 =	vadd.f32 v6, v10;
	v31 =	vadd.f32 v25, v25;
	v39 =	vld.idx.msk [tilespmem:v46+s11+$0x0], $0xffff  }
0x1b2: {  	v2 =	vmax.f32 v49, v50;
	v29 =	vadd.f32 v19, v19;
	v48 =	vadd.f32 v3, v14  }
0x1b3: {  	v10 =	vmul.f32 $3.085937500e-01, v47;
	v61 =	vadd.f32 v5, v35;
	v62 =	vadd.f32 v3, v37  }
0x1b4: {  	v63 =	vadd.f32 v27, v9;
	v56 =	vadd.f32 v15, v12;
	v12 =	vadd.s32 $0x1, v46  }
0x1b5: {  	v4 =	vmax.f32 v51, v47;
	v9 =	vadd.f32 v27, v8;
	v57 =	vadd.f32 v27, v17  }
0x1b6: {  	v58 =	vadd.f32 v10, v1;
	v60 =	vadd.f32 v10, v23;
	v1 =	vmul.f32 v54, v39  }
0x1b7: {  	v59 =	vadd.f32 v21, v7;
	v23 =	vmax.f32 v2, v4;
	v2 =	vmul.f32 $3.000000000e+00, v25  }
0x1b8: {  	v21 =	vmul.f32 $3.000000000e+00, v44;
	v7 =	vadd.f32 v10, v16;
	v37 =	vadd.f32 v13, v19;
	[tilespmem:s18+$0x8050] =	vst v1  }
0x1b9: {  	v35 =	vadd.f32 v19, v2;
	v54 =	vadd.f32 v3, v33;
	v1 =	vmul.f32 $3.000000000e+00, v19;
	v17 =	vld.idx.msk [tilespmem:v12+s11+$0x0], $0xffff  }
0x1ba: {  	s21 =	simm.s32 $0x4080;
	v15 =	vmul.f32 $4.000000000e+00, v25;
	v39 =	vadd.f32 v5, v6;
	v33 =	vadd.f32 v29, v2  }
.LBB2_4:
0x1bb: {  	p0 =	sne.s32 s21, $0x7FC0;
	v3 =	vmul.f32 $3.000000000e+00, v11;
	v2 =	vadd.f32 v13, v2;
	v4 =	vadd.f32 v1, v31  }
0x1bc: {  	v5 =	vadd.f32 v19, v31;
	v6 =	vadd.f32 v11, v31;
	v8 =	vadd.s32 $0x2, v46  }
0x1bd: {  	v10 =	vmul.f32 $4.000000000e+00, v19;
	v12 =	vadd.f32 v1, v25;
	v14 =	vadd.f32 v29, v25  }
0x1be: {  	v1 =	vadd.f32 v11, v1;
	v16 =	vadd.f32 v3, v25;
	v17 =	vmul.f32 v17, v42;
	v42 =	vmovc v52  }
0x1bf: {  	v19 =	vmul.f32 $4.000000000e+00, v11;
	v25 =	vadd.f32 v29, v31;
	v29 =	vadd.f32 v3, v29  }
0x1c0: {  	v27 =	vadd.f32 v27, v39;
	v31 =	vadd.f32 v37, v21;
	v37 =	vmax.f32 v57, v58;
	[tilespmem:s18+$0x80D0] =	vst v17  }
0x1c1: {  	v11 =	vadd.f32 v33, v11;
	v33 =	vmax.f32 v60, v59;
	v17 =	vadd.f32 v53, v35;
	v8 =	vld.idx.msk [tilespmem:v8+s11+$0x0], $0xffff  }
0x1c2: {  	v2 =	vadd.f32 v2, v44;
	v4 =	vadd.f32 v4, v44;
	v35 =	vmax.f32 v54, v61  }
0x1c3: {  	v3 =	vadd.f32 v3, v5;
	v5 =	vadd.f32 v21, v6;
	v6 =	vmax.f32 v62, v63  }
0x1c4: {  	v12 =	vadd.f32 v13, v12;
	v14 =	vadd.f32 v21, v14;
	v21 =	vmax.f32 v9, v7  }
0x1c5: {  	v39 =	vadd.s32 $0x3, v46;
	v13 =	vadd.f32 v13, v25;
	v25 =	vmax.f32 v27, v56  }
0x1c6: {  	v6 =	vmax.f32 v6, v21;
	v25 =	vmax.f32 v25, v37;
	v33 =	vmax.f32 v33, v35  }
0x1c7: {  	v21 =	vmax.f32 v23, v25;
	v6 =	vmax.f32 v33, v6;
	v8 =	vmul.f32 v8, v41;
	v41 =	vmovc v45  }
0x1c8: {  	v1 =	vadd.f32 v53, v1;
	v16 =	vadd.f32 v16, v53;
	v6 =	vmax.f32 v21, v6  }
0x1c9: {  	v13 =	vadd.f32 v13, v53;
	v21 =	vadd.f32 v29, v44;
	v6 =	vmax.f32 v6, v48;
	[tilespmem:s18+$0x8150] =	vst v8  }
0x1ca: {  	vm0 =	veq.f32 v49, v6;
	vm1 =	veq.f32 v50, v6;
	vm2 =	veq.f32 v51, v6;
	v8 =	vld.idx.msk [tilespmem:v39+s11+$0x0], $0xffff  }
0x1cb: {  	vm3 =	veq.f32 v47, v6;
	vm4 =	veq.f32 v27, v6;
	vm5 =	veq.f32 v56, v6  }
0x1cc: {  	vm6 =	veq.f32 v57, v6;
	vm7 =	veq.f32 v58, v6;
	vm8 =	veq.f32 v60, v6  }
0x1cd: {  	vm9 =	veq.f32 v59, v6;
	vm10 =	veq.f32 v54, v6;
	vm11 =	veq.f32 v61, v6  }
0x1ce: {  	vm12 =	veq.f32 v62, v6;
	vm13 =	veq.f32 v63, v6;
	vm14 =	veq.f32 v9, v6  }
0x1cf: {  	v9 =	vnsel vm0, $0x4E6E6B28, v15;
	v10 =	vnsel vm1, $0x4E6E6B28, v10;
	vm0 =	veq.f32 v7, v6  }
0x1d0: {  	v7 =	vnsel vm2, $0x4E6E6B28, v19;
	v15 =	vnsel vm3, $0x4E6E6B28, v55;
	v8 =	vmul.f32 v8, v40;
	v40 =	vmovc v44  }
0x1d1: {  	s20 =	sadd.s32 $0x10, s20;
	v13 =	vnsel vm4, $0x4E6E6B28, v13;
	v11 =	vnsel vm5, $0x4E6E6B28, v11;
	v17 =	vnsel vm6, $0x4E6E6B28, v17  }
0x1d2: {  	s22 =	sand.u32 $0x7E00, s21;
	s23 =	sand.u32 $0x70, s20;
	v2 =	vnsel vm7, $0x4E6E6B28, v2;
	v4 =	vnsel vm8, $0x4E6E6B28, v4;
	v3 =	vnsel vm9, $0x4E6E6B28, v3;
	[tilespmem:s18+$0x81D0] =	vst v8;
	s18 =	smov.u32 s19  }
0x1d3: {  	v5 =	vnsel vm10, $0x4E6E6B28, v5;
	s19 =	sor.u32 s23, s22;
	v8 =	vnsel vm11, $0x4E6E6B28, v12;
	v12 =	vnsel vm12, $0x4E6E6B28, v14  }
0x1d4: {  	v16 =	vnsel vm13, $0x4E6E6B28, v16;
	v1 =	vnsel vm14, $0x4E6E6B28, v1;
	v19 =	vnsel vm0, $0x4E6E6B28, v21;
	v14 =	vld [tilespmem:s19+$0x180]  }
0x1d5: {  	v9 =	vmin.f32 v9, v10;
	v7 =	vmin.f32 v7, v15;
	v10 =	vmin.f32 v13, v11;
	v21 =	vld [tilespmem:s19+$0x100]  }
0x1d6: {  	v2 =	vmin.f32 v17, v2;
	v3 =	vmin.f32 v4, v3;
	v4 =	vmin.f32 v5, v8;
	v11 =	vld [tilespmem:s19+$0x0]  }
0x1d7: {  	v1 =	vmin.f32 v1, v19;
	v7 =	vmin.f32 v9, v7;
	v8 =	vmin.f32 v12, v16;
	v5 =	vld [tilespmem:s19+$0x80]  }
0x1d8: {  	v2 =	vmin.f32 v10, v2;
	v3 =	vmin.f32 v3, v4;
	v1 =	vmin.f32 v8, v1  }
0x1d9: {  	vm0 =	veq.f32 v48, v6;
	v2 =	vmin.f32 v7, v2;
	v1 =	vmin.f32 v3, v1  }
0x1da: {  	v4 =	vnsel vm0, $0x4E6E6B28, v31;
	v1 =	vmin.f32 v2, v1;
	v3 =	vmul.f32 $6.553700000e+04, v14  }
0x1db: {  	v1 =	vmin.f32 v1, v4;
	v6 =	vmul.f32 $6.553700000e+04, v21;
	v2 =	vmul.f32 $6.553700000e+04, v11  }
0x1dc: {  	v1 =	vtrunc.f32 v1;
	v7 =	vsub.f32 v14, v3;
	v4 =	vmul.f32 $6.553700000e+04, v5  }
0x1dd: {  	v1 =	vcvt.f32.s32 v1;
	v9 =	vsub.f32 v21, v6;
	v8 =	vsub.f32 v11, v2  }
0x1de: {  	v3 =	vadd.f32 v7, v3;
	v5 =	vsub.f32 v5, v4  }
0x1df: {  	v1 =	vadd.s32 $0xCD0, v1;
	v6 =	vadd.f32 v9, v6;
	v2 =	vadd.f32 v8, v2  }
0x1e0: {  	vm0 =	vlt.f32 v3, $0.0e+00;
	v4 =	vadd.f32 v5, v4  }
0x1e1: {  	v47 =	vand.u32 $0x7FFFFFFF, v3;
	vm2 =	vlt.f32 v6, $0.0e+00;
	vm1 =	vlt.f32 v2, $0.0e+00  }
0x1e2: {  	v49 =	vand.u32 $0x7FFFFFFF, v2;
	v50 =	vand.u32 $0x7FFFFFFF, v4;
	vm3 =	vlt.f32 v4, $0.0e+00  }
0x1e3: {  	v51 =	vand.u32 $0x7FFFFFFF, v6;
	v44 =	vsel vm0, $0xBF800000, v0;
	v2 =	vmax.f32 v49, v50  }
0x1e4: {  	v3 =	vmul.f32 $8.085937500e-01, v47;
	v45 =	vsel vm2, $0xBF800000, v0;
	v4 =	vmax.f32 v51, v47;
	v46 =	vld.idx.msk [tilespmem:v1+s9+$0x0], $0xffff  }
0x1e5: {  	v6 =	vmul.f32 $5.000000000e-01, v51;
	v5 =	vmul.f32 $8.085937500e-01, v49;
	v1 =	vsel vm1, $0xBF800000, v0  }
0x1e6: {  	v52 =	vsel vm3, $0xBF800000, v0;
	v7 =	vmul.f32 $5.000000000e-01, v50;
	v8 =	vmul.f32 $3.085937500e-01, v50  }
0x1e7: {  	v53 =	vadd.f32 v44, v44;
	v10 =	vmul.f32 $3.085937500e-01, v49;
	v9 =	vmul.f32 $8.085937500e-01, v50  }
0x1e8: {  	v12 =	vmul.f32 $5.000000000e-01, v49;
	v14 =	vadd.f32 v7, v5;
	v15 =	vadd.f32 v6, v8  }
0x1e9: {  	v16 =	vmul.f32 $3.085937500e-01, v51;
	v17 =	vadd.f32 v8, v5;
	v5 =	vadd.f32 v6, v5  }
0x1ea: {  	v21 =	vmul.f32 $8.085937500e-01, v51;
	v23 =	vadd.f32 v9, v12;
	v8 =	vadd.f32 v8, v12  }
0x1eb: {  	v11 =	vmul.f32 $9.000000000e+00, v45;
	v33 =	vadd.f32 v16, v12;
	v35 =	vadd.f32 v9, v10  }
0x1ec: {  	v25 =	vmul.f32 $7.290000000e+02, v1;
	v37 =	vadd.f32 v7, v10;
	v10 =	vadd.f32 v21, v10;
	v39 =	vld.idx.msk [tilespmem:v46+s11+$0x0], $0xffff  }
0x1ed: {  	v19 =	vmul.f32 $8.100000000e+01, v52;
	v9 =	vadd.f32 v16, v9;
	v18 =	vadd.f32 v21, v7  }
0x1ee: {  	v27 =	vmul.f32 $5.000000000e-01, v47;
	v13 =	vadd.f32 v11, v11;
	v12 =	vadd.f32 v7, v12  }
0x1ef: {  	v7 =	vmul.f32 $3.085937500e-01, v47;
	v29 =	vadd.f32 v19, v19;
	v31 =	vadd.f32 v25, v25  }
0x1f0: {  	v56 =	vadd.f32 v16, v14;
	v48 =	vadd.f32 v3, v15;
	v14 =	vadd.s32 $0x1, v46  }
0x1f1: {  	v55 =	vmul.f32 $4.000000000e+00, v44;
	v57 =	vadd.f32 v27, v17;
	v58 =	vadd.f32 v7, v5  }
0x1f2: {  	v60 =	vadd.f32 v7, v23;
	v59 =	vadd.f32 v21, v8;
	v5 =	vmul.f32 v43, v39;
	v43 =	vmovc v1  }
.Ltmp1:
0x1f3: {  	v54 =	vadd.f32 v3, v33;
	v21 =	vmul.f32 $3.000000000e+00, v44;
	v61 =	vadd.f32 v6, v35;
	(pc) =	sbr.rel @p0 .LBB2_4-.Ltmp1, $4  }
0x1f4: {  	v62 =	vadd.f32 v3, v37;
	v63 =	vadd.f32 v27, v10;
	v23 =	vmax.f32 v2, v4;
	[tilespmem:s18+$0x8050] =	vst v5  }
0x1f5: {  	v2 =	vmul.f32 $3.000000000e+00, v25;
	v9 =	vadd.f32 v27, v9;
	v7 =	vadd.f32 v7, v18;
	v17 =	vld.idx.msk [tilespmem:v14+s11+$0x0], $0xffff  }
0x1f6: {  	v37 =	vadd.f32 v13, v19;
	v1 =	vmul.f32 $3.000000000e+00, v19;
	v39 =	vadd.f32 v6, v12  }
0x1f7: {  	s21 =	sadd.s32 $0x40, s21;
	v15 =	vmul.f32 $4.000000000e+00, v25;
	v33 =	vadd.f32 v29, v2;
	v35 =	vadd.f32 v19, v2  }
0x1f8: {  	v2 =	vadd.f32 v13, v2  }
0x1f9: {  	v3 =	vadd.f32 v1, v31;
	v5 =	vadd.f32 v19, v31  }
0x1fa: {  	v6 =	vadd.f32 v11, v31;
	v8 =	vadd.f32 v1, v25  }
0x1fb: {  	v4 =	vmul.f32 $3.000000000e+00, v11;
	v10 =	vadd.f32 v29, v25;
	v1 =	vadd.f32 v11, v1  }
0x1fc: {  	v14 =	vadd.f32 v29, v31;
	v16 =	vadd.f32 v27, v39  }
0x1fd: {  	v27 =	vmax.f32 v57, v58;
	v39 =	vmax.f32 v54, v61;
	v12 =	vadd.f32 v4, v25  }
0x1fe: {  	v19 =	vmul.f32 $4.000000000e+00, v19;
	v18 =	vadd.f32 v4, v29;
	v25 =	vadd.f32 v37, v21  }
0x1ff: {  	v29 =	vmax.f32 v60, v59;
	v4 =	vadd.f32 v4, v5;
	v2 =	vadd.f32 v2, v44  }
0x200: {  	v31 =	vmax.f32 v16, v56;
	v3 =	vadd.f32 v3, v44;
	v6 =	vadd.f32 v21, v6  }
0x201: {  	v8 =	vadd.f32 v13, v8;
	v10 =	vadd.f32 v21, v10;
	v27 =	vmax.f32 v31, v27  }
0x202: {  	v31 =	vmax.f32 v62, v63;
	v5 =	vmax.f32 v29, v39;
	v29 =	vmax.f32 v9, v7  }
0x203: {  	v1 =	vadd.f32 v53, v1;
	v29 =	vmax.f32 v31, v29;
	v31 =	vadd.f32 v33, v11  }
0x204: {  	v33 =	vadd.f32 v53, v35;
	v37 =	vmax.f32 v23, v27;
	v5 =	vmax.f32 v5, v29  }
0x205: {  	v11 =	vmul.f32 $4.000000000e+00, v11;
	v35 =	vadd.f32 v13, v14;
	v5 =	vmax.f32 v37, v5  }
0x206: {  	v12 =	vadd.f32 v12, v53;
	v39 =	vadd.f32 v18, v44;
	v5 =	vmax.f32 v5, v48  }
0x207: {  	v13 =	vadd.f32 v35, v53;
	vm0 =	veq.f32 v49, v5;
	vm1 =	veq.f32 v50, v5  }
0x208: {  	vm2 =	veq.f32 v51, v5;
	vm3 =	veq.f32 v47, v5;
	vm4 =	veq.f32 v16, v5  }
0x209: {  	vm5 =	veq.f32 v56, v5;
	vm6 =	veq.f32 v57, v5;
	vm7 =	veq.f32 v58, v5  }
0x20a: {  	vm8 =	veq.f32 v60, v5;
	vm9 =	veq.f32 v59, v5;
	vm10 =	veq.f32 v54, v5  }
0x20b: {  	vm11 =	veq.f32 v61, v5;
	vm12 =	veq.f32 v62, v5;
	vm13 =	veq.f32 v63, v5  }
0x20c: {  	vm14 =	veq.f32 v9, v5;
	vm15 =	veq.f32 v7, v5;
	v51 =	vnsel vm0, $0x4E6E6B28, v15  }
0x20d: {  	v53 =	vnsel vm1, $0x4E6E6B28, v19;
	v54 =	vnsel vm2, $0x4E6E6B28, v11;
	v56 =	vnsel vm3, $0x4E6E6B28, v55  }
0x20e: {  	v13 =	vnsel vm4, $0x4E6E6B28, v13;
	v57 =	vnsel vm5, $0x4E6E6B28, v31;
	v18 =	vnsel vm6, $0x4E6E6B28, v33  }
0x20f: {  	v2 =	vnsel vm7, $0x4E6E6B28, v2;
	v3 =	vnsel vm8, $0x4E6E6B28, v3;
	v4 =	vnsel vm9, $0x4E6E6B28, v4  }
0x210: {  	v6 =	vnsel vm10, $0x4E6E6B28, v6;
	v8 =	vnsel vm11, $0x4E6E6B28, v8;
	v10 =	vnsel vm12, $0x4E6E6B28, v10  }
0x211: {  	v12 =	vnsel vm13, $0x4E6E6B28, v12;
	v1 =	vnsel vm14, $0x4E6E6B28, v1;
	v14 =	vnsel vm15, $0x4E6E6B28, v39  }
0x212: {  	v9 =	vmin.f32 v51, v53;
	v7 =	vmin.f32 v54, v56;
	v58 =	vmin.f32 v13, v57  }
0x213: {  	v2 =	vmin.f32 v18, v2;
	v3 =	vmin.f32 v3, v4;
	v59 =	vmin.f32 v6, v8  }
0x214: {  	v60 =	vmin.f32 v10, v12;
	v1 =	vmin.f32 v1, v14;
	v7 =	vmin.f32 v9, v7  }
0x215: {  	v2 =	vmin.f32 v58, v2;
	v3 =	vmin.f32 v3, v59;
	v1 =	vmin.f32 v60, v1  }
0x216: {  	vm15 =	veq.f32 v48, v5;
	v2 =	vmin.f32 v7, v2;
	v1 =	vmin.f32 v3, v1  }
0x217: {  	v3 =	vnsel vm15, $0x4E6E6B28, v25;
	v1 =	vmin.f32 v2, v1  }
0x218: {  	v1 =	vmin.f32 v1, v3  }
0x219: {  	v1 =	vtrunc.f32 v1  }
0x21a: {  	v1 =	vcvt.f32.s32 v1;
	_ =	sdelay $0x1  }
0x21b: {  	v1 =	vadd.s32 $0xCD0, v1;
	_ =	sdelay $0x4  }
0x21c: {  	v1 =	vld.idx.msk [tilespmem:v1+s9+$0x0], $0xffff;
	_ =	sdelay $0x7  }
0x21d: {  	v2 =	vld.idx.msk [tilespmem:v1+s11+$0x0], $0xffff;
	_ =	sdelay $0x2  }
0x21e: {  	v3 =	vadd.s32 $0x1, v1;
	_ =	sdelay $0x1  }
0x21f: {  	v2 =	vmul.f32 v43, v2;
	_ =	sdelay $0x1  }
0x220: {  	[tilespmem:s19+$0x8050] =	vst v2  }
0x221: {  	v2 =	vld.idx.msk [tilespmem:v3+s11+$0x0], $0xffff;
	_ =	sdelay $0x1  }
0x222: {  	v3 =	vadd.s32 $0x2, v46  }
0x223: {  	v61 =	vadd.s32 $0x2, v1  }
0x224: {  	v62 =	vmul.f32 v17, v42  }
0x225: {  	v2 =	vmul.f32 v2, v52  }
0x226: {  	[tilespmem:s18+$0x80D0] =	vst v62  }
0x227: {  	v3 =	vld.idx.msk [tilespmem:v3+s11+$0x0], $0xffff;
	[tilespmem:s19+$0x80D0] =	vst v2  }
0x228: {  	v2 =	vld.idx.msk [tilespmem:v61+s11+$0x0], $0xffff;
	_ =	sdelay $0x1  }
0x229: {  	v63 =	vadd.s32 $0x3, v46  }
0x22a: {  	v1 =	vadd.s32 $0x3, v1  }
0x22b: {  	v3 =	vmul.f32 v3, v41  }
0x22c: {  	v2 =	vmul.f32 v2, v45  }
0x22d: {  	[tilespmem:s18+$0x8150] =	vst v3  }
0x22e: {  	v3 =	vld.idx.msk [tilespmem:v63+s11+$0x0], $0xffff;
	[tilespmem:s19+$0x8150] =	vst v2  }
0x22f: {  	v1 =	vld.idx.msk [tilespmem:v1+s11+$0x0], $0xffff;
	_ =	sdelay $0x3  }
0x230: {  	v2 =	vmul.f32 v3, v40  }
0x231: {  	v1 =	vmul.f32 v1, v44  }
0x232: {  	[tilespmem:s18+$0x81D0] =	vst v2  }
0x233: {  	[tilespmem:s19+$0x81D0] =	vst v1  }
0x234: {  	s17 =	sadd.s32 $0x1, s17;
	_ =	swait.ge [sflag:s14], $0x4000  }
0x235: {  	p0 =	sne.s32 s17, s7;
	[sflag:s14] =	ssyncset.done $0x0  }
.Ltmp2:
0x236: {  	[sflag:s14] =	ssyncadd.s32 $0xFFFFC000;
	(pc) =	sbr.rel @p0 .LBB2_1-.Ltmp2, $4  }
0x237: {  	[hbm4b:s6+s2] =	stream.linear.scatter [tilespmem:s15], [sflag:$0x4], $0x4000, $0x38;
	[tilespmem:$0x119F8] =	vst v63  }
0x238: {  	_ =	swait.ge [sflag:s16], $0x4000  }
0x239: {  	[sflag:s16] =	ssyncset.done $0x0  }
0x23a: {  	[sflag:s16] =	ssyncadd.s32 $0xFFFFC000  }
0x23b: {  	_ =	sfence.sel $0x180000  }
0x23c: {  	[bflag:$0x0] =	sbarrier.arrive $0xFFFF  }
0x23d: {  	p0 =	sne.s32 s1, $0x0;
	_ =	strace $0x90000047  }
0x23e: {  	s0 =	sadd.s32 @!p0 $0x100000, s0;
	[bflag:$0x2] =	sbarrier.arrive $0xFFFF  }
0x23f: {  	[sflag:s0] =	ssyncadd.tile.s32 @!p0 $0x1;
	_ =	shalt  }
.Lfunc_end2:
_tile_overlayer_lowered:
.L_overlay_start_2:
0x240: {  	(tag) =	ssettag $0x2  }
0x241: {  	s0 =	rddreg [dreg:$0x0];
	s2 =	stileid.u32  }
0x242: {  	s1 =	rddreg [dreg:$0x1];
	p0 =	sne.s32 s2, $0x0  }
0x243: {  	s3 =	rddreg [dreg:$0x2];
	[bflag:$0x3] =	sbarrier.arrive $0xFFFF;
	s2 =	simm.s32 @!p0 $0x1C04  }
0x244: {  	[timem:s3], [sflag:s2] =	dma.local @!p0 [hbm:s0], s1  }
0x245: {  	s0 =	simm.s32 @!p0 $0x4  }
0x246: {  	_ =	swait.ge @!p0 [sflag:s0], s1  }
0x247: {  	s1 =	ssub.s32 @!p0 $0x0, s1;
	[sflag:s0] =	ssyncset.done @!p0 $0x0  }
0x248: {  	[sflag:s0] =	ssyncadd.s32 @!p0 s1  }
0x249: {  	[bflag:$0x3] =	sbarrier.arrive $0xFFFF  }
0x24a: {  	_ =	shalt  }

</sc_bundles>
